<compile_context>
chip_gen: v7x
topology: tpu7x:2x2x1
jax: 0.10.2.dev20260603
libtpu: 0.0.44.dev20260713+nightly
codegen_flags: <defaults>
</compile_context>

<pallas_src>
import functools

import jax
import jax.numpy as jnp
from jax import lax
from jax.experimental import pallas as pl
from jax.experimental.pallas import tpu as pltpu
from jax.experimental.pallas import tpu_sc as plsc

B = 1024
DIM = 32
N_MEM = 32
N_HOP = 2
N_NEI = 16
N_REL = 32

NC, NS = 2, 16
NW = NC * NS
LANES = 16

MB = 128
GRID = B // MB

SEG_ITEMS = MB * N_MEM
N_MEMIDX = B * N_MEM
N_NBR = B * N_NEI
N_MAIN = SEG_ITEMS + 2 * N_HOP * N_MEMIDX
N_TOT = N_MAIN + N_NBR

PER_W = N_MAIN // NW
N_CHUNKS = 4
CHUNK = PER_W // N_CHUNKS
ITEMS_W = B // NW
NBR_W = ITEMS_W * N_NEI


def _sc_mesh():
    return plsc.VectorSubcoreMesh(core_axis_name="c", subcore_axis_name="s",
                                  num_cores=NC, num_subcores=NS)


def _sc_gather(table, idx_main, nenr):

    @functools.partial(
        pl.kernel,
        out_type=(jax.ShapeDtypeStruct((N_TOT, DIM), jnp.float32),
                  jax.ShapeDtypeStruct((B, N_NEI), jnp.int32)),
        mesh=_sc_mesh(),
        compiler_params=pltpu.CompilerParams(use_tc_tiling_on_sc=False,
                                             skip_device_barrier=True),
        scratch_types=[pltpu.VMEM((PER_W,), jnp.int32),
                       pltpu.VMEM((CHUNK, DIM), jnp.float32),
                       pltpu.VMEM((CHUNK, DIM), jnp.float32),
                       pltpu.VMEM((ITEMS_W,), jnp.int32),
                       pltpu.VMEM((ITEMS_W, 2 * N_NEI), jnp.int32),
                       pltpu.VMEM((ITEMS_W, N_NEI), jnp.int32),
                       pltpu.VMEM((NBR_W,), jnp.int32),
                       pltpu.VMEM((NBR_W, DIM), jnp.float32),
                       pltpu.SemaphoreType.DMA,
                       pltpu.SemaphoreType.DMA,
                       pltpu.SemaphoreType.DMA,
                       pltpu.SemaphoreType.DMA,
                       pltpu.SemaphoreType.DMA,
                       pltpu.SemaphoreType.DMA],
    )
    def k(table_hbm, idx_hbm, nenr_hbm, out_hbm, nr_out,
          idx_v, rows_a, rows_b, it_v, nn_rows, nr_rows, nidx_v, nrows_f,
          sg_a, sg_b, ss_a, ss_b, sem_n, sem_n2):
        wid = lax.axis_index("s") * NC + lax.axis_index("c")
        base = wid * PER_W
        ib = wid * ITEMS_W
        rows = (rows_a, rows_b)
        sg = (sg_a, sg_b)
        ss = (ss_a, ss_b)
        cp_it = pltpu.async_copy(idx_hbm.at[pl.ds(ib, ITEMS_W)], it_v, sem_n)
        pltpu.sync_copy(idx_hbm.at[pl.ds(base, PER_W)], idx_v)

        def start_gather(c, buf):
            return pltpu.async_copy(
                table_hbm.at[idx_v.at[pl.ds(c * CHUNK, CHUNK)]], rows[buf],
                sg[buf])

        def start_store(c, buf):
            return pltpu.async_copy(
                rows[buf], out_hbm.at[pl.ds(base + c * CHUNK, CHUNK), :],
                ss[buf])

        g = [start_gather(0, 0), start_gather(1, 1)]
        cp_it.wait()
        cp_nn = pltpu.async_copy(nenr_hbm.at[it_v], nn_rows, sem_n2)
        st = [None, None]
        for c in range(N_CHUNKS):
            buf = c % 2
            g[buf].wait()
            st[buf] = start_store(c, buf)
            nxt = c + 2
            if nxt < N_CHUNKS:
                st[buf].wait()
                g[buf] = start_gather(nxt, buf)
        cp_nn.wait()
        for i in range(ITEMS_W):
            nidx_v[pl.ds(i * N_NEI, LANES)] = nn_rows[i, pl.ds(0, LANES)]
            nr_rows[i, pl.ds(0, LANES)] = nn_rows[i, pl.ds(N_NEI, LANES)]
        pltpu.sync_copy(nr_rows, nr_out.at[pl.ds(ib, ITEMS_W), :])
        pltpu.async_copy(table_hbm.at[nidx_v], nrows_f, sem_n2).wait()
        pltpu.sync_copy(nrows_f,
                        out_hbm.at[pl.ds(N_MAIN + wid * NBR_W, NBR_W), :])
        for buf in range(2):
            if st[buf] is not None:
                st[buf].wait()

    return k(table, idx_main, nenr)


def _tc_body(g_it, g_h0, g_h1, g_t0, g_t1, g_nbr, mr_ref, nr_ref,
             R3_ref, Rm_ref, rtg_ref, Wt0_ref, Wt1_ref, Wg0_ref,
             bt0_ref, bt1_ref, bg0_ref, preds_ref, kge_ref):
    i = pl.program_id(0)
    f32 = jnp.float32
    v0 = g_it[...]
    v = v0
    R3 = R3_ref[...]
    Rmean = Rm_ref[...]
    kge_acc = f32(0.0)
    hs = (g_h0, g_h1)
    ts = (g_t0, g_t1)
    Ws = (Wt0_ref, Wt1_ref)
    bs = (bt0_ref, bt1_ref)
    for hop in range(N_HOP):
        h = hs[hop][...].reshape(MB, N_MEM, DIM)
        t = ts[hop][...].reshape(MB, N_MEM, DIM)
        r = mr_ref[hop]
        u = jnp.dot(v, R3, preferred_element_type=f32)
        u3 = u.reshape(MB, N_REL, DIM)
        s = lax.dot_general(h, u3, (((2,), (2,)), ((0,), (0,))),
                            preferred_element_type=f32)
        oh3 = (r[:, :, None] ==
               lax.broadcasted_iota(jnp.int32, (MB, N_MEM, N_REL), 2)).astype(f32)
        att_s = jnp.sum(s * oh3, axis=2)
        att_s = att_s - jnp.max(att_s, axis=1, keepdims=True)
        e = jnp.exp(att_s)
        att = e / jnp.sum(e, axis=1, keepdims=True)
        o = jnp.sum(att[:, :, None] * t, axis=1)
        Rmsel = jnp.dot(oh3.reshape(MB * N_MEM, N_REL), Rmean,
                        preferred_element_type=f32).reshape(MB, N_MEM, DIM)
        diff = h - t + Rmsel
        kge_acc = kge_acc + jnp.sum(diff * diff)
        v = jnp.tanh(jnp.dot(o + v, Ws[hop][...], preferred_element_type=f32)
                     + bs[hop][...])
    nbr = g_nbr[...].reshape(MB, N_NEI, DIM)
    nrr = nr_ref[...]
    ohn = (nrr[:, :, None] ==
           lax.broadcasted_iota(jnp.int32, (MB, N_NEI, N_REL), 2)).astype(f32)
    nrel = jnp.dot(ohn.reshape(MB * N_NEI, N_REL), rtg_ref[...],
                   preferred_element_type=f32).reshape(MB, N_NEI, DIM)
    scores = jnp.sum(v[:, None, :] * nrel, axis=2)
    scores = scores - jnp.max(scores, axis=1, keepdims=True)
    es = jnp.exp(scores)
    w = es / jnp.sum(es, axis=1, keepdims=True)
    agg = jnp.sum(w[:, :, None] * nbr, axis=1)
    cur = jnp.maximum(
        jnp.dot(v0 + agg, Wg0_ref[...], preferred_element_type=f32) + bg0_ref[...],
        0.0)
    logits = jnp.sum(v * cur, axis=1)
    preds_ref[0, 0, :] = 1.0 / (1.0 + jnp.exp(-logits))

    @pl.when(i == 0)
    def _():
        kge_ref[...] = jnp.zeros((1, 1), f32)

    kge_ref[...] += (kge_acc / f32(B * N_MEM)).reshape(1, 1)


def _dense_part(g, mr, item_nr, relation_table, relation_table_gcn,
                W_t0, b_t0, W_t1, b_t1, W_g0, b_g0, interpret=False):
    f32 = jnp.float32
    R3mat = relation_table.reshape(N_REL, DIM, DIM).transpose(1, 0, 2).reshape(
        DIM, N_REL * DIM)
    Rmean = jnp.mean(relation_table.reshape(N_REL, DIM, DIM), axis=2)
    seg = SEG_ITEMS // (MB * N_MEM)
    nblk = N_MEMIDX // (MB * N_MEM)
    spec_it = pl.BlockSpec((MB, DIM), lambda i: (i, 0))
    spec_h0 = pl.BlockSpec((MB * N_MEM, DIM), lambda i: (seg + i, 0))
    spec_h1 = pl.BlockSpec((MB * N_MEM, DIM), lambda i: (seg + nblk + i, 0))
    spec_t0 = pl.BlockSpec((MB * N_MEM, DIM), lambda i: (seg + 2 * nblk + i, 0))
    spec_t1 = pl.BlockSpec((MB * N_MEM, DIM), lambda i: (seg + 3 * nblk + i, 0))
    spec_nbr = pl.BlockSpec((MB * N_NEI, DIM),
                            lambda i: (N_MAIN // (MB * N_NEI) + i, 0))
    spec_mr = pl.BlockSpec((N_HOP, MB, N_MEM), lambda i: (0, i, 0))
    spec_nr = pl.BlockSpec((MB, N_NEI), lambda i: (i, 0))
    full = lambda shape: pl.BlockSpec(shape, lambda i: tuple(0 for _ in shape))
    preds2d, kge = pl.pallas_call(
        _tc_body,
        grid=(GRID,),
        in_specs=[spec_it, spec_h0, spec_h1, spec_t0, spec_t1, spec_nbr,
                  spec_mr, spec_nr,
                  full((DIM, N_REL * DIM)), full((N_REL, DIM)),
                  full((N_REL, DIM)),
                  full((DIM, DIM)), full((DIM, DIM)), full((DIM, DIM)),
                  full((1, DIM)), full((1, DIM)), full((1, DIM))],
        out_specs=[pl.BlockSpec((1, 1, MB), lambda i: (i, 0, 0)),
                   pl.BlockSpec((1, 1), lambda i: (0, 0))],
        out_shape=[jax.ShapeDtypeStruct((GRID, 1, MB), f32),
                   jax.ShapeDtypeStruct((1, 1), f32)],
        interpret=interpret,
    )(g, g, g, g, g, g, mr, item_nr,
      R3mat, Rmean, relation_table_gcn,
      W_t0, W_t1, W_g0,
      b_t0.reshape(1, DIM), b_t1.reshape(1, DIM), b_g0.reshape(1, DIM))
    return preds2d.reshape(B), kge[0, 0]


def kernel(items, memories_h, memories_r, memories_t, neighbor_entities,
           neighbor_relations, entity_table, relation_table,
           relation_table_gcn, W_t0, b_t0, W_t1, b_t1, W_g0, b_g0):
    i32 = jnp.int32
    items = items.astype(i32)
    mh = memories_h.astype(i32)
    mr = memories_r.astype(i32)
    mt = memories_t.astype(i32)
    ne = neighbor_entities.astype(i32)
    nr = neighbor_relations.astype(i32)

    pad = jnp.zeros((SEG_ITEMS - B,), i32)
    idx_main = jnp.concatenate([
        items, pad,
        mh[0].reshape(-1), mh[1].reshape(-1),
        mt[0].reshape(-1), mt[1].reshape(-1),
    ])
    nenr = jnp.concatenate([ne, nr], axis=1)
    g, item_nr = _sc_gather(entity_table, idx_main, nenr)

    return _dense_part(g, mr, item_nr, relation_table, relation_table_gcn,
                       W_t0, b_t0, W_t1, b_t1, W_g0, b_g0)

# --- scband reference (transcript-rebuilt; emitter-appended) ---
"""Pipeline reference for scband-rkgcn-40355512713612 (READ-ONLY COPY).

The authoritative reference and input builder live on the scoring server;
editing this copy changes nothing except your own understanding.
"""

import jax, jax.numpy as jnp
import numpy as np

N_ENT = 100000
N_REL = 32
DIM = 32
N_HOP = 2
N_MEM = 32
N_NEI = 16
B = 1024


def setup_inputs(seed: int = 0) -> dict:
    key = jax.random.key(seed)
    ks = jax.random.split(key, 16)
    s = 1.0 / np.sqrt(DIM)
    inp = {
        "items": jax.random.randint(ks[0], (B,), 0, N_ENT),
        "memories_h": jax.random.randint(ks[1], (N_HOP, B, N_MEM), 0, N_ENT),
        "memories_r": jax.random.randint(ks[2], (N_HOP, B, N_MEM), 0, N_REL),
        "memories_t": jax.random.randint(ks[3], (N_HOP, B, N_MEM), 0, N_ENT),
        "neighbor_entities": jax.random.randint(ks[4], (N_ENT, N_NEI), 0, N_ENT),
        "neighbor_relations": jax.random.randint(ks[5], (N_ENT, N_NEI), 0, N_REL),
        "entity_table": jax.random.normal(ks[6], (N_ENT, DIM), dtype=jnp.float32) * s,
        "relation_table": jax.random.normal(ks[7], (N_REL, DIM * DIM), dtype=jnp.float32) * s,
        "relation_table_gcn": jax.random.normal(ks[8], (N_REL, DIM), dtype=jnp.float32) * s,
        "W_t0": jax.random.normal(ks[9], (DIM, DIM), dtype=jnp.float32) * s,
        "b_t0": jnp.zeros((DIM,), dtype=jnp.float32),
        "W_t1": jax.random.normal(ks[10], (DIM, DIM), dtype=jnp.float32) * s,
        "b_t1": jnp.zeros((DIM,), dtype=jnp.float32),
        "W_g0": jax.random.normal(ks[11], (DIM, DIM), dtype=jnp.float32) * s,
        "b_g0": jnp.zeros((DIM,), dtype=jnp.float32),
    }
    return inp


def reference(items, memories_h, memories_r, memories_t, neighbor_entities, neighbor_relations, entity_table, relation_table, relation_table_gcn, W_t0, b_t0, W_t1, b_t1, W_g0, b_g0):
    item_embeddings = jnp.take(entity_table, items, axis=0)
    v = item_embeddings
    kge_loss = jnp.float32(0.0)
    Wt = (W_t0, W_t1)
    bt = (b_t0, b_t1)
    for hop in range(N_HOP):
        h_emb = jnp.take(entity_table, memories_h[hop], axis=0)
        r_emb = jnp.take(relation_table, memories_r[hop], axis=0).reshape(B, N_MEM, DIM, DIM)
        t_emb = jnp.take(entity_table, memories_t[hop], axis=0)
        Rh = jnp.einsum('bnij,bnj->bni', r_emb, h_emb)
        att_scores = jnp.sum(Rh * v[:, None, :], axis=2)
        att = jax.nn.softmax(att_scores, axis=1)
        o = jnp.sum(att[:, :, None] * t_emb, axis=1)
        v = jnp.tanh((o + v) @ Wt[hop] + bt[hop])
        r_for_kge = jnp.mean(r_emb, axis=3)
        kge_loss = kge_loss + jnp.mean(jnp.sum(jnp.square(h_emb + r_for_kge - t_emb), axis=2))
    user_emb = v
    item_ne = jnp.take(neighbor_entities, items, axis=0)
    item_nr = jnp.take(neighbor_relations, items, axis=0)
    neighbor_emb = jnp.take(entity_table, item_ne, axis=0)
    neighbor_rel_emb = jnp.take(relation_table_gcn, item_nr, axis=0)
    cur = item_embeddings
    scores = jnp.sum(user_emb[:, None, :] * neighbor_rel_emb, axis=2)
    w = jax.nn.softmax(scores, axis=1)
    agg = jnp.sum(w[:, :, None] * neighbor_emb, axis=1)
    cur = jax.nn.relu((cur + agg) @ W_g0 + b_g0)
    logits = jnp.sum(user_emb * cur, axis=1)
    preds = jax.nn.sigmoid(logits)
    return (preds, kge_loss)

if __name__ == "__main__":
    import jax
    _d = setup_inputs()
    print(jax.jit(kernel)(*tuple(_d.values())))

</pallas_src>

<mosaic_0001>
#map = affine_map<(d0, d1) -> (0, 0)>
#map1 = affine_map<(d0, d1) -> (0)>
module attributes {stable_mosaic.version = 14 : i64} {
  func.func @k(%arg0: i32, %arg1: i32, %arg2: memref<100000x32xf32, #tpu.memory_space<hbm>>, %arg3: memref<135168xi32, #tpu.memory_space<hbm>>, %arg4: memref<100000x32xi32, #tpu.memory_space<hbm>>, %arg5: memref<151552x32xf32, #tpu.memory_space<hbm>>, %arg6: memref<1024x16xi32, #tpu.memory_space<hbm>>, %arg7: memref<4224xi32, #tpu.memory_space<vmem>>, %arg8: memref<1056x32xf32, #tpu.memory_space<vmem>>, %arg9: memref<1056x32xf32, #tpu.memory_space<vmem>>, %arg10: memref<32xi32, #tpu.memory_space<vmem>>, %arg11: memref<32x32xi32, #tpu.memory_space<vmem>>, %arg12: memref<32x16xi32, #tpu.memory_space<vmem>>, %arg13: memref<512xi32, #tpu.memory_space<vmem>>, %arg14: memref<512x32xf32, #tpu.memory_space<vmem>>, %arg15: memref<!tpu.dma_semaphore, #tpu.memory_space<semaphore_mem>>, %arg16: memref<!tpu.dma_semaphore, #tpu.memory_space<semaphore_mem>>, %arg17: memref<!tpu.dma_semaphore, #tpu.memory_space<semaphore_mem>>, %arg18: memref<!tpu.dma_semaphore, #tpu.memory_space<semaphore_mem>>, %arg19: memref<!tpu.dma_semaphore, #tpu.memory_space<semaphore_mem>>, %arg20: memref<!tpu.dma_semaphore, #tpu.memory_space<semaphore_mem>>) attributes {dimension_semantics = [#tpu.dimension_semantics<core_parallel>, #tpu.dimension_semantics<subcore_parallel>], iteration_bounds = array<i64: 2, 16>, scalar_prefetch = 0 : i64, scratch_operands = 14 : i64, tpu.core_type = #tpu.core_type<sc_vector_subcore>, window_params = [{transform_indices = #map}, {transform_indices = #map1}, {transform_indices = #map}, {transform_indices = #map}, {transform_indices = #map}]} {
    %mul3A = arith.constant 2 : i32
    %mul3A_0 = arith.muli %arg1, %mul3A : i32
    %add3A = arith.addi %mul3A_0, %arg0 : i32
    %mul3A_1 = arith.constant 4224 : i32
    %mul3A_2 = arith.muli %add3A, %mul3A_1 : i32
    %mul3A_3 = arith.constant 32 : i32
    %mul3A_4 = arith.muli %add3A, %mul3A_3 : i32
    %dma_start3A = tpu.memref_slice %arg3[%mul3A_4] : memref<135168xi32, #tpu.memory_space<hbm>> -> memref<32xi32, #tpu.memory_space<hbm>>
    %dma_start3A_5 = tpu.memref_slice %arg3[%mul3A_4] : memref<135168xi32, #tpu.memory_space<hbm>> -> memref<32xi32, #tpu.memory_space<hbm>>
    tpu.enqueue_dma source(%dma_start3A_5 : memref<32xi32, #tpu.memory_space<hbm>>) target(%arg10 : memref<32xi32, #tpu.memory_space<vmem>>) target_semaphore(%arg19 : memref<!tpu.dma_semaphore, #tpu.memory_space<semaphore_mem>>)
    "tpu.region"() ({
      %run_scoped3A = tpu.sem_alloc : memref<!tpu.dma_semaphore, #tpu.memory_space<semaphore_mem>>
      %dma_start3A_741 = tpu.memref_slice %arg3[%mul3A_2] : memref<135168xi32, #tpu.memory_space<hbm>> -> memref<4224xi32, #tpu.memory_space<hbm>>
      %dma_start3A_742 = tpu.memref_slice %arg3[%mul3A_2] : memref<135168xi32, #tpu.memory_space<hbm>> -> memref<4224xi32, #tpu.memory_space<hbm>>
      tpu.enqueue_dma source(%dma_start3A_742 : memref<4224xi32, #tpu.memory_space<hbm>>) target(%arg7 : memref<4224xi32, #tpu.memory_space<vmem>>) target_semaphore(%run_scoped3A : memref<!tpu.dma_semaphore, #tpu.memory_space<semaphore_mem>>)
      %dma_wait3A_743 = tpu.memref_slice %arg3[%mul3A_2] : memref<135168xi32, #tpu.memory_space<hbm>> -> memref<4224xi32, #tpu.memory_space<hbm>>
      %dma_wait3A_744 = tpu.memref_slice %arg3[%mul3A_2] : memref<135168xi32, #tpu.memory_space<hbm>> -> memref<4224xi32, #tpu.memory_space<hbm>>
      tpu.wait_dma2 semaphore(%run_scoped3A : memref<!tpu.dma_semaphore, #tpu.memory_space<semaphore_mem>>) src(%dma_wait3A_744 : memref<4224xi32, #tpu.memory_space<hbm>>) dst(%arg7 : memref<4224xi32, #tpu.memory_space<vmem>>)
      tpu.yield
    }) : () -> ()
    %dma_start3A_6 = arith.constant 0 : i32
    %dma_start3A_7 = tpu.memref_slice %arg7[%dma_start3A_6] : memref<4224xi32, #tpu.memory_space<vmem>> -> memref<1056xi32, #tpu.memory_space<vmem>>
    %dma_start3A_8 = arith.constant 0 : i32
    %dma_start3A_9 = arith.constant 0 : i32
    %dma_start3A_10 = tpu.memref_slice %arg2[%dma_start3A_8, %dma_start3A_9] : memref<100000x32xf32, #tpu.memory_space<hbm>> -> memref<100000x32xf32, #tpu.memory_space<hbm>>
    tpu.enqueue_indirect_dma source(%dma_start3A_10 : memref<100000x32xf32, #tpu.memory_space<hbm>>) target(%arg8 : memref<1056x32xf32, #tpu.memory_space<vmem>>) offsets(%dma_start3A_7 : memref<1056xi32, #tpu.memory_space<vmem>>) semaphore(%arg15 : memref<!tpu.dma_semaphore, #tpu.memory_space<semaphore_mem>>)
    %dma_start3A_11 = arith.constant 1056 : i32
    %dma_start3A_12 = tpu.memref_slice %arg7[%dma_start3A_11] : memref<4224xi32, #tpu.memory_space<vmem>> -> memref<1056xi32, #tpu.memory_space<vmem>>
    %dma_start3A_13 = arith.constant 0 : i32
    %dma_start3A_14 = arith.constant 0 : i32
    %dma_start3A_15 = tpu.memref_slice %arg2[%dma_start3A_13, %dma_start3A_14] : memref<100000x32xf32, #tpu.memory_space<hbm>> -> memref<100000x32xf32, #tpu.memory_space<hbm>>
    tpu.enqueue_indirect_dma source(%dma_start3A_15 : memref<100000x32xf32, #tpu.memory_space<hbm>>) target(%arg9 : memref<1056x32xf32, #tpu.memory_space<vmem>>) offsets(%dma_start3A_12 : memref<1056xi32, #tpu.memory_space<vmem>>) semaphore(%arg16 : memref<!tpu.dma_semaphore, #tpu.memory_space<semaphore_mem>>)
    %dma_wait3A = tpu.memref_slice %arg3[%mul3A_4] : memref<135168xi32, #tpu.memory_space<hbm>> -> memref<32xi32, #tpu.memory_space<hbm>>
    %dma_wait3A_16 = tpu.memref_slice %arg3[%mul3A_4] : memref<135168xi32, #tpu.memory_space<hbm>> -> memref<32xi32, #tpu.memory_space<hbm>>
    tpu.wait_dma2 semaphore(%arg19 : memref<!tpu.dma_semaphore, #tpu.memory_space<semaphore_mem>>) src(%dma_wait3A_16 : memref<32xi32, #tpu.memory_space<hbm>>) dst(%arg10 : memref<32xi32, #tpu.memory_space<vmem>>)
    %dma_start3A_17 = arith.constant 0 : i32
    %dma_start3A_18 = arith.constant 0 : i32
    %dma_start3A_19 = tpu.memref_slice %arg4[%dma_start3A_17, %dma_start3A_18] : memref<100000x32xi32, #tpu.memory_space<hbm>> -> memref<100000x32xi32, #tpu.memory_space<hbm>>
    tpu.enqueue_indirect_dma source(%dma_start3A_19 : memref<100000x32xi32, #tpu.memory_space<hbm>>) target(%arg11 : memref<32x32xi32, #tpu.memory_space<vmem>>) offsets(%arg10 : memref<32xi32, #tpu.memory_space<vmem>>) semaphore(%arg20 : memref<!tpu.dma_semaphore, #tpu.memory_space<semaphore_mem>>)
    %dma_wait3A_20 = arith.constant 0 : i32
    %dma_wait3A_21 = tpu.memref_slice %arg7[%dma_wait3A_20] : memref<4224xi32, #tpu.memory_space<vmem>> -> memref<1056xi32, #tpu.memory_space<vmem>>
    %dma_wait3A_22 = arith.constant 0 : i32
    %dma_wait3A_23 = arith.constant 0 : i32
    %dma_wait3A_24 = tpu.memref_slice %arg2[%dma_wait3A_22, %dma_wait3A_23] : memref<100000x32xf32, #tpu.memory_space<hbm>> -> memref<100000x32xf32, #tpu.memory_space<hbm>>
    tpu.wait_indirect_dma semaphore(%arg15 : memref<!tpu.dma_semaphore, #tpu.memory_space<semaphore_mem>>) src(%dma_wait3A_24 : memref<100000x32xf32, #tpu.memory_space<hbm>>) dst(%arg8 : memref<1056x32xf32, #tpu.memory_space<vmem>>)
    %add3A_25 = arith.constant 0 : i32
    %add3A_26 = arith.addi %mul3A_2, %add3A_25 : i32
    %dma_start3A_27 = arith.constant 0 : i32
    %dma_start3A_28 = tpu.memref_slice %arg5[%add3A_26, %dma_start3A_27] : memref<151552x32xf32, #tpu.memory_space<hbm>> -> memref<1056x32xf32, #tpu.memory_space<hbm>>
    %dma_start3A_29 = arith.constant 0 : i32
    %dma_start3A_30 = tpu.memref_slice %arg5[%add3A_26, %dma_start3A_29] : memref<151552x32xf32, #tpu.memory_space<hbm>> -> memref<1056x32xf32, #tpu.memory_space<hbm>>
    tpu.enqueue_dma source(%arg8 : memref<1056x32xf32, #tpu.memory_space<vmem>>) target(%dma_start3A_30 : memref<1056x32xf32, #tpu.memory_space<hbm>>) target_semaphore(%arg17 : memref<!tpu.dma_semaphore, #tpu.memory_space<semaphore_mem>>)
    %dma_wait3A_31 = arith.constant 0 : i32
    %dma_wait3A_32 = tpu.memref_slice %arg5[%add3A_26, %dma_wait3A_31] : memref<151552x32xf32, #tpu.memory_space<hbm>> -> memref<1056x32xf32, #tpu.memory_space<hbm>>
    %dma_wait3A_33 = arith.constant 0 : i32
    %dma_wait3A_34 = tpu.memref_slice %arg5[%add3A_26, %dma_wait3A_33] : memref<151552x32xf32, #tpu.memory_space<hbm>> -> memref<1056x32xf32, #tpu.memory_space<hbm>>
    tpu.wait_dma2 semaphore(%arg17 : memref<!tpu.dma_semaphore, #tpu.memory_space<semaphore_mem>>) src(%arg8 : memref<1056x32xf32, #tpu.memory_space<vmem>>) dst(%dma_wait3A_34 : memref<1056x32xf32, #tpu.memory_space<hbm>>)
    %dma_start3A_35 = arith.constant 2112 : i32
    %dma_start3A_36 = tpu.memref_slice %arg7[%dma_start3A_35] : memref<4224xi32, #tpu.memory_space<vmem>> -> memref<1056xi32, #tpu.memory_space<vmem>>
    %dma_start3A_37 = arith.constant 0 : i32
    %dma_start3A_38 = arith.constant 0 : i32
    %dma_start3A_39 = tpu.memref_slice %arg2[%dma_start3A_37, %dma_start3A_38] : memref<100000x32xf32, #tpu.memory_space<hbm>> -> memref<100000x32xf32, #tpu.memory_space<hbm>>
    tpu.enqueue_indirect_dma source(%dma_start3A_39 : memref<100000x32xf32, #tpu.memory_space<hbm>>) target(%arg8 : memref<1056x32xf32, #tpu.memory_space<vmem>>) offsets(%dma_start3A_36 : memref<1056xi32, #tpu.memory_space<vmem>>) semaphore(%arg15 : memref<!tpu.dma_semaphore, #tpu.memory_space<semaphore_mem>>)
    %dma_wait3A_40 = arith.constant 1056 : i32
    %dma_wait3A_41 = tpu.memref_slice %arg7[%dma_wait3A_40] : memref<4224xi32, #tpu.memory_space<vmem>> -> memref<1056xi32, #tpu.memory_space<vmem>>
    %dma_wait3A_42 = arith.constant 0 : i32
    %dma_wait3A_43 = arith.constant 0 : i32
    %dma_wait3A_44 = tpu.memref_slice %arg2[%dma_wait3A_42, %dma_wait3A_43] : memref<100000x32xf32, #tpu.memory_space<hbm>> -> memref<100000x32xf32, #tpu.memory_space<hbm>>
    tpu.wait_indirect_dma semaphore(%arg16 : memref<!tpu.dma_semaphore, #tpu.memory_space<semaphore_mem>>) src(%dma_wait3A_44 : memref<100000x32xf32, #tpu.memory_space<hbm>>) dst(%arg9 : memref<1056x32xf32, #tpu.memory_space<vmem>>)
    %add3A_45 = arith.constant 1056 : i32
    %add3A_46 = arith.addi %mul3A_2, %add3A_45 : i32
    %dma_start3A_47 = arith.constant 0 : i32
    %dma_start3A_48 = tpu.memref_slice %arg5[%add3A_46, %dma_start3A_47] : memref<151552x32xf32, #tpu.memory_space<hbm>> -> memref<1056x32xf32, #tpu.memory_space<hbm>>
    %dma_start3A_49 = arith.constant 0 : i32
    %dma_start3A_50 = tpu.memref_slice %arg5[%add3A_46, %dma_start3A_49] : memref<151552x32xf32, #tpu.memory_space<hbm>> -> memref<1056x32xf32, #tpu.memory_space<hbm>>
    tpu.enqueue_dma source(%arg9 : memref<1056x32xf32, #tpu.memory_space<vmem>>) target(%dma_start3A_50 : memref<1056x32xf32, #tpu.memory_space<hbm>>) target_semaphore(%arg18 : memref<!tpu.dma_semaphore, #tpu.memory_space<semaphore_mem>>)
    %dma_wait3A_51 = arith.constant 0 : i32
    %dma_wait3A_52 = tpu.memref_slice %arg5[%add3A_46, %dma_wait3A_51] : memref<151552x32xf32, #tpu.memory_space<hbm>> -> memref<1056x32xf32, #tpu.memory_space<hbm>>
    %dma_wait3A_53 = arith.constant 0 : i32
    %dma_wait3A_54 = tpu.memref_slice %arg5[%add3A_46, %dma_wait3A_53] : memref<151552x32xf32, #tpu.memory_space<hbm>> -> memref<1056x32xf32, #tpu.memory_space<hbm>>
    tpu.wait_dma2 semaphore(%arg18 : memref<!tpu.dma_semaphore, #tpu.memory_space<semaphore_mem>>) src(%arg9 : memref<1056x32xf32, #tpu.memory_space<vmem>>) dst(%dma_wait3A_54 : memref<1056x32xf32, #tpu.memory_space<hbm>>)
    %dma_start3A_55 = arith.constant 3168 : i32
    %dma_start3A_56 = tpu.memref_slice %arg7[%dma_start3A_55] : memref<4224xi32, #tpu.memory_space<vmem>> -> memref<1056xi32, #tpu.memory_space<vmem>>
    %dma_start3A_57 = arith.constant 0 : i32
    %dma_start3A_58 = arith.constant 0 : i32
    %dma_start3A_59 = tpu.memref_slice %arg2[%dma_start3A_57, %dma_start3A_58] : memref<100000x32xf32, #tpu.memory_space<hbm>> -> memref<100000x32xf32, #tpu.memory_space<hbm>>
    tpu.enqueue_indirect_dma source(%dma_start3A_59 : memref<100000x32xf32, #tpu.memory_space<hbm>>) target(%arg9 : memref<1056x32xf32, #tpu.memory_space<vmem>>) offsets(%dma_start3A_56 : memref<1056xi32, #tpu.memory_space<vmem>>) semaphore(%arg16 : memref<!tpu.dma_semaphore, #tpu.memory_space<semaphore_mem>>)
    %dma_wait3A_60 = arith.constant 2112 : i32
    %dma_wait3A_61 = tpu.memref_slice %arg7[%dma_wait3A_60] : memref<4224xi32, #tpu.memory_space<vmem>> -> memref<1056xi32, #tpu.memory_space<vmem>>
    %dma_wait3A_62 = arith.constant 0 : i32
    %dma_wait3A_63 = arith.constant 0 : i32
    %dma_wait3A_64 = tpu.memref_slice %arg2[%dma_wait3A_62, %dma_wait3A_63] : memref<100000x32xf32, #tpu.memory_space<hbm>> -> memref<100000x32xf32, #tpu.memory_space<hbm>>
    tpu.wait_indirect_dma semaphore(%arg15 : memref<!tpu.dma_semaphore, #tpu.memory_space<semaphore_mem>>) src(%dma_wait3A_64 : memref<100000x32xf32, #tpu.memory_space<hbm>>) dst(%arg8 : memref<1056x32xf32, #tpu.memory_space<vmem>>)
    %add3A_65 = arith.constant 2112 : i32
    %add3A_66 = arith.addi %mul3A_2, %add3A_65 : i32
    %dma_start3A_67 = arith.constant 0 : i32
    %dma_start3A_68 = tpu.memref_slice %arg5[%add3A_66, %dma_start3A_67] : memref<151552x32xf32, #tpu.memory_space<hbm>> -> memref<1056x32xf32, #tpu.memory_space<hbm>>
    %dma_start3A_69 = arith.constant 0 : i32
    %dma_start3A_70 = tpu.memref_slice %arg5[%add3A_66, %dma_start3A_69] : memref<151552x32xf32, #tpu.memory_space<hbm>> -> memref<1056x32xf32, #tpu.memory_space<hbm>>
    tpu.enqueue_dma source(%arg8 : memref<1056x32xf32, #tpu.memory_space<vmem>>) target(%dma_start3A_70 : memref<1056x32xf32, #tpu.memory_space<hbm>>) target_semaphore(%arg17 : memref<!tpu.dma_semaphore, #tpu.memory_space<semaphore_mem>>)
    %dma_wait3A_71 = arith.constant 3168 : i32
    %dma_wait3A_72 = tpu.memref_slice %arg7[%dma_wait3A_71] : memref<4224xi32, #tpu.memory_space<vmem>> -> memref<1056xi32, #tpu.memory_space<vmem>>
    %dma_wait3A_73 = arith.constant 0 : i32
    %dma_wait3A_74 = arith.constant 0 : i32
    %dma_wait3A_75 = tpu.memref_slice %arg2[%dma_wait3A_73, %dma_wait3A_74] : memref<100000x32xf32, #tpu.memory_space<hbm>> -> memref<100000x32xf32, #tpu.memory_space<hbm>>
    tpu.wait_indirect_dma semaphore(%arg16 : memref<!tpu.dma_semaphore, #tpu.memory_space<semaphore_mem>>) src(%dma_wait3A_75 : memref<100000x32xf32, #tpu.memory_space<hbm>>) dst(%arg9 : memref<1056x32xf32, #tpu.memory_space<vmem>>)
    %add3A_76 = arith.constant 3168 : i32
    %add3A_77 = arith.addi %mul3A_2, %add3A_76 : i32
    %dma_start3A_78 = arith.constant 0 : i32
    %dma_start3A_79 = tpu.memref_slice %arg5[%add3A_77, %dma_start3A_78] : memref<151552x32xf32, #tpu.memory_space<hbm>> -> memref<1056x32xf32, #tpu.memory_space<hbm>>
    %dma_start3A_80 = arith.constant 0 : i32
    %dma_start3A_81 = tpu.memref_slice %arg5[%add3A_77, %dma_start3A_80] : memref<151552x32xf32, #tpu.memory_space<hbm>> -> memref<1056x32xf32, #tpu.memory_space<hbm>>
    tpu.enqueue_dma source(%arg9 : memref<1056x32xf32, #tpu.memory_space<vmem>>) target(%dma_start3A_81 : memref<1056x32xf32, #tpu.memory_space<hbm>>) target_semaphore(%arg18 : memref<!tpu.dma_semaphore, #tpu.memory_space<semaphore_mem>>)
    %dma_wait3A_82 = arith.constant 0 : i32
    %dma_wait3A_83 = arith.constant 0 : i32
    %dma_wait3A_84 = tpu.memref_slice %arg4[%dma_wait3A_82, %dma_wait3A_83] : memref<100000x32xi32, #tpu.memory_space<hbm>> -> memref<100000x32xi32, #tpu.memory_space<hbm>>
    tpu.wait_indirect_dma semaphore(%arg20 : memref<!tpu.dma_semaphore, #tpu.memory_space<semaphore_mem>>) src(%dma_wait3A_84 : memref<100000x32xi32, #tpu.memory_space<hbm>>) dst(%arg11 : memref<32x32xi32, #tpu.memory_space<vmem>>)
    %get3A = arith.constant 0 : i32
    %get3A_85 = arith.index_cast %get3A : i32 to index
    %get3A_86 = arith.constant 0 : index
    %get3A_87 = tpu.vector_load %arg11[%get3A_85, %get3A_86] {strides = array<i32>} : memref<32x32xi32, #tpu.memory_space<vmem>>, vector<1x16xi32>,
    %get3A_88 = vector.shape_cast %get3A_87 : vector<1x16xi32> to vector<16xi32>
    %swap3A = arith.constant 0 : index
    %swap3A_89 = tpu.vector_load %arg13[%swap3A] {strides = array<i32>} : memref<512xi32, #tpu.memory_space<vmem>>, vector<16xi32>,
    %swap3A_90 = vector.shape_cast %swap3A_89 : vector<16xi32> to vector<16xi32>
    %swap3A_91 = vector.shape_cast %get3A_88 : vector<16xi32> to vector<16xi32>
    tpu.vector_store %arg13[%swap3A], %swap3A_91 {strides = array<i32>} : memref<512xi32, #tpu.memory_space<vmem>>, vector<16xi32>,
    %get3A_92 = arith.constant 0 : i32
    %get3A_93 = arith.index_cast %get3A_92 : i32 to index
    %get3A_94 = arith.constant 16 : index
    %get3A_95 = tpu.vector_load %arg11[%get3A_93, %get3A_94] {strides = array<i32>} : memref<32x32xi32, #tpu.memory_space<vmem>>, vector<1x16xi32>,
    %get3A_96 = vector.shape_cast %get3A_95 : vector<1x16xi32> to vector<16xi32>
    %swap3A_97 = arith.constant 0 : i32
    %swap3A_98 = arith.index_cast %swap3A_97 : i32 to index
    %swap3A_99 = arith.constant 0 : index
    %swap3A_100 = tpu.vector_load %arg12[%swap3A_98, %swap3A_99] {strides = array<i32>} : memref<32x16xi32, #tpu.memory_space<vmem>>, vector<1x16xi32>,
    %swap3A_101 = vector.shape_cast %swap3A_100 : vector<1x16xi32> to vector<16xi32>
    %swap3A_102 = vector.shape_cast %get3A_96 : vector<16xi32> to vector<1x16xi32>
    tpu.vector_store %arg12[%swap3A_98, %swap3A_99], %swap3A_102 {strides = array<i32>} : memref<32x16xi32, #tpu.memory_space<vmem>>, vector<1x16xi32>,
    %get3A_103 = arith.constant 1 : i32
    %get3A_104 = arith.index_cast %get3A_103 : i32 to index
    %get3A_105 = arith.constant 0 : index
    %get3A_106 = tpu.vector_load %arg11[%get3A_104, %get3A_105] {strides = array<i32>} : memref<32x32xi32, #tpu.memory_space<vmem>>, vector<1x16xi32>,
    %get3A_107 = vector.shape_cast %get3A_106 : vector<1x16xi32> to vector<16xi32>
    %swap3A_108 = arith.constant 16 : index
    %swap3A_109 = tpu.vector_load %arg13[%swap3A_108] {strides = array<i32>} : memref<512xi32, #tpu.memory_space<vmem>>, vector<16xi32>,
    %swap3A_110 = vector.shape_cast %swap3A_109 : vector<16xi32> to vector<16xi32>
    %swap3A_111 = vector.shape_cast %get3A_107 : vector<16xi32> to vector<16xi32>
    tpu.vector_store %arg13[%swap3A_108], %swap3A_111 {strides = array<i32>} : memref<512xi32, #tpu.memory_space<vmem>>, vector<16xi32>,
    %get3A_112 = arith.constant 1 : i32
    %get3A_113 = arith.index_cast %get3A_112 : i32 to index
    %get3A_114 = arith.constant 16 : index
    %get3A_115 = tpu.vector_load %arg11[%get3A_113, %get3A_114] {strides = array<i32>} : memref<32x32xi32, #tpu.memory_space<vmem>>, vector<1x16xi32>,
    %get3A_116 = vector.shape_cast %get3A_115 : vector<1x16xi32> to vector<16xi32>
    %swap3A_117 = arith.constant 1 : i32
    %swap3A_118 = arith.index_cast %swap3A_117 : i32 to index
    %swap3A_119 = arith.constant 0 : index
    %swap3A_120 = tpu.vector_load %arg12[%swap3A_118, %swap3A_119] {strides = array<i32>} : memref<32x16xi32, #tpu.memory_space<vmem>>, vector<1x16xi32>,
    %swap3A_121 = vector.shape_cast %swap3A_120 : vector<1x16xi32> to vector<16xi32>
    %swap3A_122 = vector.shape_cast %get3A_116 : vector<16xi32> to vector<1x16xi32>
    tpu.vector_store %arg12[%swap3A_118, %swap3A_119], %swap3A_122 {strides = array<i32>} : memref<32x16xi32, #tpu.memory_space<vmem>>, vector<1x16xi32>,
    %get3A_123 = arith.constant 2 : i32
    %get3A_124 = arith.index_cast %get3A_123 : i32 to index
    %get3A_125 = arith.constant 0 : index
    %get3A_126 = tpu.vector_load %arg11[%get3A_124, %get3A_125] {strides = array<i32>} : memref<32x32xi32, #tpu.memory_space<vmem>>, vector<1x16xi32>,
    %get3A_127 = vector.shape_cast %get3A_126 : vector<1x16xi32> to vector<16xi32>
    %swap3A_128 = arith.constant 32 : index
    %swap3A_129 = tpu.vector_load %arg13[%swap3A_128] {strides = array<i32>} : memref<512xi32, #tpu.memory_space<vmem>>, vector<16xi32>,
    %swap3A_130 = vector.shape_cast %swap3A_129 : vector<16xi32> to vector<16xi32>
    %swap3A_131 = vector.shape_cast %get3A_127 : vector<16xi32> to vector<16xi32>
    tpu.vector_store %arg13[%swap3A_128], %swap3A_131 {strides = array<i32>} : memref<512xi32, #tpu.memory_space<vmem>>, vector<16xi32>,
    %get3A_132 = arith.constant 2 : i32
    %get3A_133 = arith.index_cast %get3A_132 : i32 to index
    %get3A_134 = arith.constant 16 : index
    %get3A_135 = tpu.vector_load %arg11[%get3A_133, %get3A_134] {strides = array<i32>} : memref<32x32xi32, #tpu.memory_space<vmem>>, vector<1x16xi32>,
    %get3A_136 = vector.shape_cast %get3A_135 : vector<1x16xi32> to vector<16xi32>
    %swap3A_137 = arith.constant 2 : i32
    %swap3A_138 = arith.index_cast %swap3A_137 : i32 to index
    %swap3A_139 = arith.constant 0 : index
    %swap3A_140 = tpu.vector_load %arg12[%swap3A_138, %swap3A_139] {strides = array<i32>} : memref<32x16xi32, #tpu.memory_space<vmem>>, vector<1x16xi32>,
    %swap3A_141 = vector.shape_cast %swap3A_140 : vector<1x16xi32> to vector<16xi32>
    %swap3A_142 = vector.shape_cast %get3A_136 : vector<16xi32> to vector<1x16xi32>
    tpu.vector_store %arg12[%swap3A_138, %swap3A_139], %swap3A_142 {strides = array<i32>} : memref<32x16xi32, #tpu.memory_space<vmem>>, vector<1x16xi32>,
    %get3A_143 = arith.constant 3 : i32
    %get3A_144 = arith.index_cast %get3A_143 : i32 to index
    %get3A_145 = arith.constant 0 : index
    %get3A_146 = tpu.vector_load %arg11[%get3A_144, %get3A_145] {strides = array<i32>} : memref<32x32xi32, #tpu.memory_space<vmem>>, vector<1x16xi32>,
    %get3A_147 = vector.shape_cast %get3A_146 : vector<1x16xi32> to vector<16xi32>
    %swap3A_148 = arith.constant 48 : index
    %swap3A_149 = tpu.vector_load %arg13[%swap3A_148] {strides = array<i32>} : memref<512xi32, #tpu.memory_space<vmem>>, vector<16xi32>,
    %swap3A_150 = vector.shape_cast %swap3A_149 : vector<16xi32> to vector<16xi32>
    %swap3A_151 = vector.shape_cast %get3A_147 : vector<16xi32> to vector<16xi32>
    tpu.vector_store %arg13[%swap3A_148], %swap3A_151 {strides = array<i32>} : memref<512xi32, #tpu.memory_space<vmem>>, vector<16xi32>,
    %get3A_152 = arith.constant 3 : i32
    %get3A_153 = arith.index_cast %get3A_152 : i32 to index
    %get3A_154 = arith.constant 16 : index
    %get3A_155 = tpu.vector_load %arg11[%get3A_153, %get3A_154] {strides = array<i32>} : memref<32x32xi32, #tpu.memory_space<vmem>>, vector<1x16xi32>,
    %get3A_156 = vector.shape_cast %get3A_155 : vector<1x16xi32> to vector<16xi32>
    %swap3A_157 = arith.constant 3 : i32
    %swap3A_158 = arith.index_cast %swap3A_157 : i32 to index
    %swap3A_159 = arith.constant 0 : index
    %swap3A_160 = tpu.vector_load %arg12[%swap3A_158, %swap3A_159] {strides = array<i32>} : memref<32x16xi32, #tpu.memory_space<vmem>>, vector<1x16xi32>,
    %swap3A_161 = vector.shape_cast %swap3A_160 : vector<1x16xi32> to vector<16xi32>
    %swap3A_162 = vector.shape_cast %get3A_156 : vector<16xi32> to vector<1x16xi32>
    tpu.vector_store %arg12[%swap3A_158, %swap3A_159], %swap3A_162 {strides = array<i32>} : memref<32x16xi32, #tpu.memory_space<vmem>>, vector<1x16xi32>,
    %get3A_163 = arith.constant 4 : i32
    %get3A_164 = arith.index_cast %get3A_163 : i32 to index
    %get3A_165 = arith.constant 0 : index
    %get3A_166 = tpu.vector_load %arg11[%get3A_164, %get3A_165] {strides = array<i32>} : memref<32x32xi32, #tpu.memory_space<vmem>>, vector<1x16xi32>,
    %get3A_167 = vector.shape_cast %get3A_166 : vector<1x16xi32> to vector<16xi32>
    %swap3A_168 = arith.constant 64 : index
    %swap3A_169 = tpu.vector_load %arg13[%swap3A_168] {strides = array<i32>} : memref<512xi32, #tpu.memory_space<vmem>>, vector<16xi32>,
    %swap3A_170 = vector.shape_cast %swap3A_169 : vector<16xi32> to vector<16xi32>
    %swap3A_171 = vector.shape_cast %get3A_167 : vector<16xi32> to vector<16xi32>
    tpu.vector_store %arg13[%swap3A_168], %swap3A_171 {strides = array<i32>} : memref<512xi32, #tpu.memory_space<vmem>>, vector<16xi32>,
    %get3A_172 = arith.constant 4 : i32
    %get3A_173 = arith.index_cast %get3A_172 : i32 to index
    %get3A_174 = arith.constant 16 : index
    %get3A_175 = tpu.vector_load %arg11[%get3A_173, %get3A_174] {strides = array<i32>} : memref<32x32xi32, #tpu.memory_space<vmem>>, vector<1x16xi32>,
    %get3A_176 = vector.shape_cast %get3A_175 : vector<1x16xi32> to vector<16xi32>
    %swap3A_177 = arith.constant 4 : i32
    %swap3A_178 = arith.index_cast %swap3A_177 : i32 to index
    %swap3A_179 = arith.constant 0 : index
    %swap3A_180 = tpu.vector_load %arg12[%swap3A_178, %swap3A_179] {strides = array<i32>} : memref<32x16xi32, #tpu.memory_space<vmem>>, vector<1x16xi32>,
    %swap3A_181 = vector.shape_cast %swap3A_180 : vector<1x16xi32> to vector<16xi32>
    %swap3A_182 = vector.shape_cast %get3A_176 : vector<16xi32> to vector<1x16xi32>
    tpu.vector_store %arg12[%swap3A_178, %swap3A_179], %swap3A_182 {strides = array<i32>} : memref<32x16xi32, #tpu.memory_space<vmem>>, vector<1x16xi32>,
    %get3A_183 = arith.constant 5 : i32
    %get3A_184 = arith.index_cast %get3A_183 : i32 to index
    %get3A_185 = arith.constant 0 : index
    %get3A_186 = tpu.vector_load %arg11[%get3A_184, %get3A_185] {strides = array<i32>} : memref<32x32xi32, #tpu.memory_space<vmem>>, vector<1x16xi32>,
    %get3A_187 = vector.shape_cast %get3A_186 : vector<1x16xi32> to vector<16xi32>
    %swap3A_188 = arith.constant 80 : index
    %swap3A_189 = tpu.vector_load %arg13[%swap3A_188] {strides = array<i32>} : memref<512xi32, #tpu.memory_space<vmem>>, vector<16xi32>,
    %swap3A_190 = vector.shape_cast %swap3A_189 : vector<16xi32> to vector<16xi32>
    %swap3A_191 = vector.shape_cast %get3A_187 : vector<16xi32> to vector<16xi32>
    tpu.vector_store %arg13[%swap3A_188], %swap3A_191 {strides = array<i32>} : memref<512xi32, #tpu.memory_space<vmem>>, vector<16xi32>,
    %get3A_192 = arith.constant 5 : i32
    %get3A_193 = arith.index_cast %get3A_192 : i32 to index
    %get3A_194 = arith.constant 16 : index
    %get3A_195 = tpu.vector_load %arg11[%get3A_193, %get3A_194] {strides = array<i32>} : memref<32x32xi32, #tpu.memory_space<vmem>>, vector<1x16xi32>,
    %get3A_196 = vector.shape_cast %get3A_195 : vector<1x16xi32> to vector<16xi32>
    %swap3A_197 = arith.constant 5 : i32
    %swap3A_198 = arith.index_cast %swap3A_197 : i32 to index
    %swap3A_199 = arith.constant 0 : index
    %swap3A_200 = tpu.vector_load %arg12[%swap3A_198, %swap3A_199] {strides = array<i32>} : memref<32x16xi32, #tpu.memory_space<vmem>>, vector<1x16xi32>,
    %swap3A_201 = vector.shape_cast %swap3A_200 : vector<1x16xi32> to vector<16xi32>
    %swap3A_202 = vector.shape_cast %get3A_196 : vector<16xi32> to vector<1x16xi32>
    tpu.vector_store %arg12[%swap3A_198, %swap3A_199], %swap3A_202 {strides = array<i32>} : memref<32x16xi32, #tpu.memory_space<vmem>>, vector<1x16xi32>,
    %get3A_203 = arith.constant 6 : i32
    %get3A_204 = arith.index_cast %get3A_203 : i32 to index
    %get3A_205 = arith.constant 0 : index
    %get3A_206 = tpu.vector_load %arg11[%get3A_204, %get3A_205] {strides = array<i32>} : memref<32x32xi32, #tpu.memory_space<vmem>>, vector<1x16xi32>,
    %get3A_207 = vector.shape_cast %get3A_206 : vector<1x16xi32> to vector<16xi32>
    %swap3A_208 = arith.constant 96 : index
    %swap3A_209 = tpu.vector_load %arg13[%swap3A_208] {strides = array<i32>} : memref<512xi32, #tpu.memory_space<vmem>>, vector<16xi32>,
    %swap3A_210 = vector.shape_cast %swap3A_209 : vector<16xi32> to vector<16xi32>
    %swap3A_211 = vector.shape_cast %get3A_207 : vector<16xi32> to vector<16xi32>
    tpu.vector_store %arg13[%swap3A_208], %swap3A_211 {strides = array<i32>} : memref<512xi32, #tpu.memory_space<vmem>>, vector<16xi32>,
    %get3A_212 = arith.constant 6 : i32
    %get3A_213 = arith.index_cast %get3A_212 : i32 to index
    %get3A_214 = arith.constant 16 : index
    %get3A_215 = tpu.vector_load %arg11[%get3A_213, %get3A_214] {strides = array<i32>} : memref<32x32xi32, #tpu.memory_space<vmem>>, vector<1x16xi32>,
    %get3A_216 = vector.shape_cast %get3A_215 : vector<1x16xi32> to vector<16xi32>
    %swap3A_217 = arith.constant 6 : i32
    %swap3A_218 = arith.index_cast %swap3A_217 : i32 to index
    %swap3A_219 = arith.constant 0 : index
    %swap3A_220 = tpu.vector_load %arg12[%swap3A_218, %swap3A_219] {strides = array<i32>} : memref<32x16xi32, #tpu.memory_space<vmem>>, vector<1x16xi32>,
    %swap3A_221 = vector.shape_cast %swap3A_220 : vector<1x16xi32> to vector<16xi32>
    %swap3A_222 = vector.shape_cast %get3A_216 : vector<16xi32> to vector<1x16xi32>
    tpu.vector_store %arg12[%swap3A_218, %swap3A_219], %swap3A_222 {strides = array<i32>} : memref<32x16xi32, #tpu.memory_space<vmem>>, vector<1x16xi32>,
    %get3A_223 = arith.constant 7 : i32
    %get3A_224 = arith.index_cast %get3A_223 : i32 to index
    %get3A_225 = arith.constant 0 : index
    %get3A_226 = tpu.vector_load %arg11[%get3A_224, %get3A_225] {strides = array<i32>} : memref<32x32xi32, #tpu.memory_space<vmem>>, vector<1x16xi32>,
    %get3A_227 = vector.shape_cast %get3A_226 : vector<1x16xi32> to vector<16xi32>
    %swap3A_228 = arith.constant 112 : index
    %swap3A_229 = tpu.vector_load %arg13[%swap3A_228] {strides = array<i32>} : memref<512xi32, #tpu.memory_space<vmem>>, vector<16xi32>,
    %swap3A_230 = vector.shape_cast %swap3A_229 : vector<16xi32> to vector<16xi32>
    %swap3A_231 = vector.shape_cast %get3A_227 : vector<16xi32> to vector<16xi32>
    tpu.vector_store %arg13[%swap3A_228], %swap3A_231 {strides = array<i32>} : memref<512xi32, #tpu.memory_space<vmem>>, vector<16xi32>,
    %get3A_232 = arith.constant 7 : i32
    %get3A_233 = arith.index_cast %get3A_232 : i32 to index
    %get3A_234 = arith.constant 16 : index
    %get3A_235 = tpu.vector_load %arg11[%get3A_233, %get3A_234] {strides = array<i32>} : memref<32x32xi32, #tpu.memory_space<vmem>>, vector<1x16xi32>,
    %get3A_236 = vector.shape_cast %get3A_235 : vector<1x16xi32> to vector<16xi32>
    %swap3A_237 = arith.constant 7 : i32
    %swap3A_238 = arith.index_cast %swap3A_237 : i32 to index
    %swap3A_239 = arith.constant 0 : index
    %swap3A_240 = tpu.vector_load %arg12[%swap3A_238, %swap3A_239] {strides = array<i32>} : memref<32x16xi32, #tpu.memory_space<vmem>>, vector<1x16xi32>,
    %swap3A_241 = vector.shape_cast %swap3A_240 : vector<1x16xi32> to vector<16xi32>
    %swap3A_242 = vector.shape_cast %get3A_236 : vector<16xi32> to vector<1x16xi32>
    tpu.vector_store %arg12[%swap3A_238, %swap3A_239], %swap3A_242 {strides = array<i32>} : memref<32x16xi32, #tpu.memory_space<vmem>>, vector<1x16xi32>,
    %get3A_243 = arith.constant 8 : i32
    %get3A_244 = arith.index_cast %get3A_243 : i32 to index
    %get3A_245 = arith.constant 0 : index
    %get3A_246 = tpu.vector_load %arg11[%get3A_244, %get3A_245] {strides = array<i32>} : memref<32x32xi32, #tpu.memory_space<vmem>>, vector<1x16xi32>,
    %get3A_247 = vector.shape_cast %get3A_246 : vector<1x16xi32> to vector<16xi32>
    %swap3A_248 = arith.constant 128 : index
    %swap3A_249 = tpu.vector_load %arg13[%swap3A_248] {strides = array<i32>} : memref<512xi32, #tpu.memory_space<vmem>>, vector<16xi32>,
    %swap3A_250 = vector.shape_cast %swap3A_249 : vector<16xi32> to vector<16xi32>
    %swap3A_251 = vector.shape_cast %get3A_247 : vector<16xi32> to vector<16xi32>
    tpu.vector_store %arg13[%swap3A_248], %swap3A_251 {strides = array<i32>} : memref<512xi32, #tpu.memory_space<vmem>>, vector<16xi32>,
    %get3A_252 = arith.constant 8 : i32
    %get3A_253 = arith.index_cast %get3A_252 : i32 to index
    %get3A_254 = arith.constant 16 : index
    %get3A_255 = tpu.vector_load %arg11[%get3A_253, %get3A_254] {strides = array<i32>} : memref<32x32xi32, #tpu.memory_space<vmem>>, vector<1x16xi32>,
    %get3A_256 = vector.shape_cast %get3A_255 : vector<1x16xi32> to vector<16xi32>
    %swap3A_257 = arith.constant 8 : i32
    %swap3A_258 = arith.index_cast %swap3A_257 : i32 to index
    %swap3A_259 = arith.constant 0 : index
    %swap3A_260 = tpu.vector_load %arg12[%swap3A_258, %swap3A_259] {strides = array<i32>} : memref<32x16xi32, #tpu.memory_space<vmem>>, vector<1x16xi32>,
    %swap3A_261 = vector.shape_cast %swap3A_260 : vector<1x16xi32> to vector<16xi32>
    %swap3A_262 = vector.shape_cast %get3A_256 : vector<16xi32> to vector<1x16xi32>
    tpu.vector_store %arg12[%swap3A_258, %swap3A_259], %swap3A_262 {strides = array<i32>} : memref<32x16xi32, #tpu.memory_space<vmem>>, vector<1x16xi32>,
    %get3A_263 = arith.constant 9 : i32
    %get3A_264 = arith.index_cast %get3A_263 : i32 to index
    %get3A_265 = arith.constant 0 : index
    %get3A_266 = tpu.vector_load %arg11[%get3A_264, %get3A_265] {strides = array<i32>} : memref<32x32xi32, #tpu.memory_space<vmem>>, vector<1x16xi32>,
    %get3A_267 = vector.shape_cast %get3A_266 : vector<1x16xi32> to vector<16xi32>
    %swap3A_268 = arith.constant 144 : index
    %swap3A_269 = tpu.vector_load %arg13[%swap3A_268] {strides = array<i32>} : memref<512xi32, #tpu.memory_space<vmem>>, vector<16xi32>,
    %swap3A_270 = vector.shape_cast %swap3A_269 : vector<16xi32> to vector<16xi32>
    %swap3A_271 = vector.shape_cast %get3A_267 : vector<16xi32> to vector<16xi32>
    tpu.vector_store %arg13[%swap3A_268], %swap3A_271 {strides = array<i32>} : memref<512xi32, #tpu.memory_space<vmem>>, vector<16xi32>,
    %get3A_272 = arith.constant 9 : i32
    %get3A_273 = arith.index_cast %get3A_272 : i32 to index
    %get3A_274 = arith.constant 16 : index
    %get3A_275 = tpu.vector_load %arg11[%get3A_273, %get3A_274] {strides = array<i32>} : memref<32x32xi32, #tpu.memory_space<vmem>>, vector<1x16xi32>,
    %get3A_276 = vector.shape_cast %get3A_275 : vector<1x16xi32> to vector<16xi32>
    %swap3A_277 = arith.constant 9 : i32
    %swap3A_278 = arith.index_cast %swap3A_277 : i32 to index
    %swap3A_279 = arith.constant 0 : index
    %swap3A_280 = tpu.vector_load %arg12[%swap3A_278, %swap3A_279] {strides = array<i32>} : memref<32x16xi32, #tpu.memory_space<vmem>>, vector<1x16xi32>,
    %swap3A_281 = vector.shape_cast %swap3A_280 : vector<1x16xi32> to vector<16xi32>
    %swap3A_282 = vector.shape_cast %get3A_276 : vector<16xi32> to vector<1x16xi32>
    tpu.vector_store %arg12[%swap3A_278, %swap3A_279], %swap3A_282 {strides = array<i32>} : memref<32x16xi32, #tpu.memory_space<vmem>>, vector<1x16xi32>,
    %get3A_283 = arith.constant 10 : i32
    %get3A_284 = arith.index_cast %get3A_283 : i32 to index
    %get3A_285 = arith.constant 0 : index
    %get3A_286 = tpu.vector_load %arg11[%get3A_284, %get3A_285] {strides = array<i32>} : memref<32x32xi32, #tpu.memory_space<vmem>>, vector<1x16xi32>,
    %get3A_287 = vector.shape_cast %get3A_286 : vector<1x16xi32> to vector<16xi32>
    %swap3A_288 = arith.constant 160 : index
    %swap3A_289 = tpu.vector_load %arg13[%swap3A_288] {strides = array<i32>} : memref<512xi32, #tpu.memory_space<vmem>>, vector<16xi32>,
    %swap3A_290 = vector.shape_cast %swap3A_289 : vector<16xi32> to vector<16xi32>
    %swap3A_291 = vector.shape_cast %get3A_287 : vector<16xi32> to vector<16xi32>
    tpu.vector_store %arg13[%swap3A_288], %swap3A_291 {strides = array<i32>} : memref<512xi32, #tpu.memory_space<vmem>>, vector<16xi32>,
    %get3A_292 = arith.constant 10 : i32
    %get3A_293 = arith.index_cast %get3A_292 : i32 to index
    %get3A_294 = arith.constant 16 : index
    %get3A_295 = tpu.vector_load %arg11[%get3A_293, %get3A_294] {strides = array<i32>} : memref<32x32xi32, #tpu.memory_space<vmem>>, vector<1x16xi32>,
    %get3A_296 = vector.shape_cast %get3A_295 : vector<1x16xi32> to vector<16xi32>
    %swap3A_297 = arith.constant 10 : i32
    %swap3A_298 = arith.index_cast %swap3A_297 : i32 to index
    %swap3A_299 = arith.constant 0 : index
    %swap3A_300 = tpu.vector_load %arg12[%swap3A_298, %swap3A_299] {strides = array<i32>} : memref<32x16xi32, #tpu.memory_space<vmem>>, vector<1x16xi32>,
    %swap3A_301 = vector.shape_cast %swap3A_300 : vector<1x16xi32> to vector<16xi32>
    %swap3A_302 = vector.shape_cast %get3A_296 : vector<16xi32> to vector<1x16xi32>
    tpu.vector_store %arg12[%swap3A_298, %swap3A_299], %swap3A_302 {strides = array<i32>} : memref<32x16xi32, #tpu.memory_space<vmem>>, vector<1x16xi32>,
    %get3A_303 = arith.constant 11 : i32
    %get3A_304 = arith.index_cast %get3A_303 : i32 to index
    %get3A_305 = arith.constant 0 : index
    %get3A_306 = tpu.vector_load %arg11[%get3A_304, %get3A_305] {strides = array<i32>} : memref<32x32xi32, #tpu.memory_space<vmem>>, vector<1x16xi32>,
    %get3A_307 = vector.shape_cast %get3A_306 : vector<1x16xi32> to vector<16xi32>
    %swap3A_308 = arith.constant 176 : index
    %swap3A_309 = tpu.vector_load %arg13[%swap3A_308] {strides = array<i32>} : memref<512xi32, #tpu.memory_space<vmem>>, vector<16xi32>,
    %swap3A_310 = vector.shape_cast %swap3A_309 : vector<16xi32> to vector<16xi32>
    %swap3A_311 = vector.shape_cast %get3A_307 : vector<16xi32> to vector<16xi32>
    tpu.vector_store %arg13[%swap3A_308], %swap3A_311 {strides = array<i32>} : memref<512xi32, #tpu.memory_space<vmem>>, vector<16xi32>,
    %get3A_312 = arith.constant 11 : i32
    %get3A_313 = arith.index_cast %get3A_312 : i32 to index
    %get3A_314 = arith.constant 16 : index
    %get3A_315 = tpu.vector_load %arg11[%get3A_313, %get3A_314] {strides = array<i32>} : memref<32x32xi32, #tpu.memory_space<vmem>>, vector<1x16xi32>,
    %get3A_316 = vector.shape_cast %get3A_315 : vector<1x16xi32> to vector<16xi32>
    %swap3A_317 = arith.constant 11 : i32
    %swap3A_318 = arith.index_cast %swap3A_317 : i32 to index
    %swap3A_319 = arith.constant 0 : index
    %swap3A_320 = tpu.vector_load %arg12[%swap3A_318, %swap3A_319] {strides = array<i32>} : memref<32x16xi32, #tpu.memory_space<vmem>>, vector<1x16xi32>,
    %swap3A_321 = vector.shape_cast %swap3A_320 : vector<1x16xi32> to vector<16xi32>
    %swap3A_322 = vector.shape_cast %get3A_316 : vector<16xi32> to vector<1x16xi32>
    tpu.vector_store %arg12[%swap3A_318, %swap3A_319], %swap3A_322 {strides = array<i32>} : memref<32x16xi32, #tpu.memory_space<vmem>>, vector<1x16xi32>,
    %get3A_323 = arith.constant 12 : i32
    %get3A_324 = arith.index_cast %get3A_323 : i32 to index
    %get3A_325 = arith.constant 0 : index
    %get3A_326 = tpu.vector_load %arg11[%get3A_324, %get3A_325] {strides = array<i32>} : memref<32x32xi32, #tpu.memory_space<vmem>>, vector<1x16xi32>,
    %get3A_327 = vector.shape_cast %get3A_326 : vector<1x16xi32> to vector<16xi32>
    %swap3A_328 = arith.constant 192 : index
    %swap3A_329 = tpu.vector_load %arg13[%swap3A_328] {strides = array<i32>} : memref<512xi32, #tpu.memory_space<vmem>>, vector<16xi32>,
    %swap3A_330 = vector.shape_cast %swap3A_329 : vector<16xi32> to vector<16xi32>
    %swap3A_331 = vector.shape_cast %get3A_327 : vector<16xi32> to vector<16xi32>
    tpu.vector_store %arg13[%swap3A_328], %swap3A_331 {strides = array<i32>} : memref<512xi32, #tpu.memory_space<vmem>>, vector<16xi32>,
    %get3A_332 = arith.constant 12 : i32
    %get3A_333 = arith.index_cast %get3A_332 : i32 to index
    %get3A_334 = arith.constant 16 : index
    %get3A_335 = tpu.vector_load %arg11[%get3A_333, %get3A_334] {strides = array<i32>} : memref<32x32xi32, #tpu.memory_space<vmem>>, vector<1x16xi32>,
    %get3A_336 = vector.shape_cast %get3A_335 : vector<1x16xi32> to vector<16xi32>
    %swap3A_337 = arith.constant 12 : i32
    %swap3A_338 = arith.index_cast %swap3A_337 : i32 to index
    %swap3A_339 = arith.constant 0 : index
    %swap3A_340 = tpu.vector_load %arg12[%swap3A_338, %swap3A_339] {strides = array<i32>} : memref<32x16xi32, #tpu.memory_space<vmem>>, vector<1x16xi32>,
    %swap3A_341 = vector.shape_cast %swap3A_340 : vector<1x16xi32> to vector<16xi32>
    %swap3A_342 = vector.shape_cast %get3A_336 : vector<16xi32> to vector<1x16xi32>
    tpu.vector_store %arg12[%swap3A_338, %swap3A_339], %swap3A_342 {strides = array<i32>} : memref<32x16xi32, #tpu.memory_space<vmem>>, vector<1x16xi32>,
    %get3A_343 = arith.constant 13 : i32
    %get3A_344 = arith.index_cast %get3A_343 : i32 to index
    %get3A_345 = arith.constant 0 : index
    %get3A_346 = tpu.vector_load %arg11[%get3A_344, %get3A_345] {strides = array<i32>} : memref<32x32xi32, #tpu.memory_space<vmem>>, vector<1x16xi32>,
    %get3A_347 = vector.shape_cast %get3A_346 : vector<1x16xi32> to vector<16xi32>
    %swap3A_348 = arith.constant 208 : index
    %swap3A_349 = tpu.vector_load %arg13[%swap3A_348] {strides = array<i32>} : memref<512xi32, #tpu.memory_space<vmem>>, vector<16xi32>,
    %swap3A_350 = vector.shape_cast %swap3A_349 : vector<16xi32> to vector<16xi32>
    %swap3A_351 = vector.shape_cast %get3A_347 : vector<16xi32> to vector<16xi32>
    tpu.vector_store %arg13[%swap3A_348], %swap3A_351 {strides = array<i32>} : memref<512xi32, #tpu.memory_space<vmem>>, vector<16xi32>,
    %get3A_352 = arith.constant 13 : i32
    %get3A_353 = arith.index_cast %get3A_352 : i32 to index
    %get3A_354 = arith.constant 16 : index
    %get3A_355 = tpu.vector_load %arg11[%get3A_353, %get3A_354] {strides = array<i32>} : memref<32x32xi32, #tpu.memory_space<vmem>>, vector<1x16xi32>,
    %get3A_356 = vector.shape_cast %get3A_355 : vector<1x16xi32> to vector<16xi32>
    %swap3A_357 = arith.constant 13 : i32
    %swap3A_358 = arith.index_cast %swap3A_357 : i32 to index
    %swap3A_359 = arith.constant 0 : index
    %swap3A_360 = tpu.vector_load %arg12[%swap3A_358, %swap3A_359] {strides = array<i32>} : memref<32x16xi32, #tpu.memory_space<vmem>>, vector<1x16xi32>,
    %swap3A_361 = vector.shape_cast %swap3A_360 : vector<1x16xi32> to vector<16xi32>
    %swap3A_362 = vector.shape_cast %get3A_356 : vector<16xi32> to vector<1x16xi32>
    tpu.vector_store %arg12[%swap3A_358, %swap3A_359], %swap3A_362 {strides = array<i32>} : memref<32x16xi32, #tpu.memory_space<vmem>>, vector<1x16xi32>,
    %get3A_363 = arith.constant 14 : i32
    %get3A_364 = arith.index_cast %get3A_363 : i32 to index
    %get3A_365 = arith.constant 0 : index
    %get3A_366 = tpu.vector_load %arg11[%get3A_364, %get3A_365] {strides = array<i32>} : memref<32x32xi32, #tpu.memory_space<vmem>>, vector<1x16xi32>,
    %get3A_367 = vector.shape_cast %get3A_366 : vector<1x16xi32> to vector<16xi32>
    %swap3A_368 = arith.constant 224 : index
    %swap3A_369 = tpu.vector_load %arg13[%swap3A_368] {strides = array<i32>} : memref<512xi32, #tpu.memory_space<vmem>>, vector<16xi32>,
    %swap3A_370 = vector.shape_cast %swap3A_369 : vector<16xi32> to vector<16xi32>
    %swap3A_371 = vector.shape_cast %get3A_367 : vector<16xi32> to vector<16xi32>
    tpu.vector_store %arg13[%swap3A_368], %swap3A_371 {strides = array<i32>} : memref<512xi32, #tpu.memory_space<vmem>>, vector<16xi32>,
    %get3A_372 = arith.constant 14 : i32
    %get3A_373 = arith.index_cast %get3A_372 : i32 to index
    %get3A_374 = arith.constant 16 : index
    %get3A_375 = tpu.vector_load %arg11[%get3A_373, %get3A_374] {strides = array<i32>} : memref<32x32xi32, #tpu.memory_space<vmem>>, vector<1x16xi32>,
    %get3A_376 = vector.shape_cast %get3A_375 : vector<1x16xi32> to vector<16xi32>
    %swap3A_377 = arith.constant 14 : i32
    %swap3A_378 = arith.index_cast %swap3A_377 : i32 to index
    %swap3A_379 = arith.constant 0 : index
    %swap3A_380 = tpu.vector_load %arg12[%swap3A_378, %swap3A_379] {strides = array<i32>} : memref<32x16xi32, #tpu.memory_space<vmem>>, vector<1x16xi32>,
    %swap3A_381 = vector.shape_cast %swap3A_380 : vector<1x16xi32> to vector<16xi32>
    %swap3A_382 = vector.shape_cast %get3A_376 : vector<16xi32> to vector<1x16xi32>
    tpu.vector_store %arg12[%swap3A_378, %swap3A_379], %swap3A_382 {strides = array<i32>} : memref<32x16xi32, #tpu.memory_space<vmem>>, vector<1x16xi32>,
    %get3A_383 = arith.constant 15 : i32
    %get3A_384 = arith.index_cast %get3A_383 : i32 to index
    %get3A_385 = arith.constant 0 : index
    %get3A_386 = tpu.vector_load %arg11[%get3A_384, %get3A_385] {strides = array<i32>} : memref<32x32xi32, #tpu.memory_space<vmem>>, vector<1x16xi32>,
    %get3A_387 = vector.shape_cast %get3A_386 : vector<1x16xi32> to vector<16xi32>
    %swap3A_388 = arith.constant 240 : index
    %swap3A_389 = tpu.vector_load %arg13[%swap3A_388] {strides = array<i32>} : memref<512xi32, #tpu.memory_space<vmem>>, vector<16xi32>,
    %swap3A_390 = vector.shape_cast %swap3A_389 : vector<16xi32> to vector<16xi32>
    %swap3A_391 = vector.shape_cast %get3A_387 : vector<16xi32> to vector<16xi32>
    tpu.vector_store %arg13[%swap3A_388], %swap3A_391 {strides = array<i32>} : memref<512xi32, #tpu.memory_space<vmem>>, vector<16xi32>,
    %get3A_392 = arith.constant 15 : i32
    %get3A_393 = arith.index_cast %get3A_392 : i32 to index
    %get3A_394 = arith.constant 16 : index
    %get3A_395 = tpu.vector_load %arg11[%get3A_393, %get3A_394] {strides = array<i32>} : memref<32x32xi32, #tpu.memory_space<vmem>>, vector<1x16xi32>,
    %get3A_396 = vector.shape_cast %get3A_395 : vector<1x16xi32> to vector<16xi32>
    %swap3A_397 = arith.constant 15 : i32
    %swap3A_398 = arith.index_cast %swap3A_397 : i32 to index
    %swap3A_399 = arith.constant 0 : index
    %swap3A_400 = tpu.vector_load %arg12[%swap3A_398, %swap3A_399] {strides = array<i32>} : memref<32x16xi32, #tpu.memory_space<vmem>>, vector<1x16xi32>,
    %swap3A_401 = vector.shape_cast %swap3A_400 : vector<1x16xi32> to vector<16xi32>
    %swap3A_402 = vector.shape_cast %get3A_396 : vector<16xi32> to vector<1x16xi32>
    tpu.vector_store %arg12[%swap3A_398, %swap3A_399], %swap3A_402 {strides = array<i32>} : memref<32x16xi32, #tpu.memory_space<vmem>>, vector<1x16xi32>,
    %get3A_403 = arith.constant 16 : i32
    %get3A_404 = arith.index_cast %get3A_403 : i32 to index
    %get3A_405 = arith.constant 0 : index
    %get3A_406 = tpu.vector_load %arg11[%get3A_404, %get3A_405] {strides = array<i32>} : memref<32x32xi32, #tpu.memory_space<vmem>>, vector<1x16xi32>,
    %get3A_407 = vector.shape_cast %get3A_406 : vector<1x16xi32> to vector<16xi32>
    %swap3A_408 = arith.constant 256 : index
    %swap3A_409 = tpu.vector_load %arg13[%swap3A_408] {strides = array<i32>} : memref<512xi32, #tpu.memory_space<vmem>>, vector<16xi32>,
    %swap3A_410 = vector.shape_cast %swap3A_409 : vector<16xi32> to vector<16xi32>
    %swap3A_411 = vector.shape_cast %get3A_407 : vector<16xi32> to vector<16xi32>
    tpu.vector_store %arg13[%swap3A_408], %swap3A_411 {strides = array<i32>} : memref<512xi32, #tpu.memory_space<vmem>>, vector<16xi32>,
    %get3A_412 = arith.constant 16 : i32
    %get3A_413 = arith.index_cast %get3A_412 : i32 to index
    %get3A_414 = arith.constant 16 : index
    %get3A_415 = tpu.vector_load %arg11[%get3A_413, %get3A_414] {strides = array<i32>} : memref<32x32xi32, #tpu.memory_space<vmem>>, vector<1x16xi32>,
    %get3A_416 = vector.shape_cast %get3A_415 : vector<1x16xi32> to vector<16xi32>
    %swap3A_417 = arith.constant 16 : i32
    %swap3A_418 = arith.index_cast %swap3A_417 : i32 to index
    %swap3A_419 = arith.constant 0 : index
    %swap3A_420 = tpu.vector_load %arg12[%swap3A_418, %swap3A_419] {strides = array<i32>} : memref<32x16xi32, #tpu.memory_space<vmem>>, vector<1x16xi32>,
    %swap3A_421 = vector.shape_cast %swap3A_420 : vector<1x16xi32> to vector<16xi32>
    %swap3A_422 = vector.shape_cast %get3A_416 : vector<16xi32> to vector<1x16xi32>
    tpu.vector_store %arg12[%swap3A_418, %swap3A_419], %swap3A_422 {strides = array<i32>} : memref<32x16xi32, #tpu.memory_space<vmem>>, vector<1x16xi32>,
    %get3A_423 = arith.constant 17 : i32
    %get3A_424 = arith.index_cast %get3A_423 : i32 to index
    %get3A_425 = arith.constant 0 : index
    %get3A_426 = tpu.vector_load %arg11[%get3A_424, %get3A_425] {strides = array<i32>} : memref<32x32xi32, #tpu.memory_space<vmem>>, vector<1x16xi32>,
    %get3A_427 = vector.shape_cast %get3A_426 : vector<1x16xi32> to vector<16xi32>
    %swap3A_428 = arith.constant 272 : index
    %swap3A_429 = tpu.vector_load %arg13[%swap3A_428] {strides = array<i32>} : memref<512xi32, #tpu.memory_space<vmem>>, vector<16xi32>,
    %swap3A_430 = vector.shape_cast %swap3A_429 : vector<16xi32> to vector<16xi32>
    %swap3A_431 = vector.shape_cast %get3A_427 : vector<16xi32> to vector<16xi32>
    tpu.vector_store %arg13[%swap3A_428], %swap3A_431 {strides = array<i32>} : memref<512xi32, #tpu.memory_space<vmem>>, vector<16xi32>,
    %get3A_432 = arith.constant 17 : i32
    %get3A_433 = arith.index_cast %get3A_432 : i32 to index
    %get3A_434 = arith.constant 16 : index
    %get3A_435 = tpu.vector_load %arg11[%get3A_433, %get3A_434] {strides = array<i32>} : memref<32x32xi32, #tpu.memory_space<vmem>>, vector<1x16xi32>,
    %get3A_436 = vector.shape_cast %get3A_435 : vector<1x16xi32> to vector<16xi32>
    %swap3A_437 = arith.constant 17 : i32
    %swap3A_438 = arith.index_cast %swap3A_437 : i32 to index
    %swap3A_439 = arith.constant 0 : index
    %swap3A_440 = tpu.vector_load %arg12[%swap3A_438, %swap3A_439] {strides = array<i32>} : memref<32x16xi32, #tpu.memory_space<vmem>>, vector<1x16xi32>,
    %swap3A_441 = vector.shape_cast %swap3A_440 : vector<1x16xi32> to vector<16xi32>
    %swap3A_442 = vector.shape_cast %get3A_436 : vector<16xi32> to vector<1x16xi32>
    tpu.vector_store %arg12[%swap3A_438, %swap3A_439], %swap3A_442 {strides = array<i32>} : memref<32x16xi32, #tpu.memory_space<vmem>>, vector<1x16xi32>,
    %get3A_443 = arith.constant 18 : i32
    %get3A_444 = arith.index_cast %get3A_443 : i32 to index
    %get3A_445 = arith.constant 0 : index
    %get3A_446 = tpu.vector_load %arg11[%get3A_444, %get3A_445] {strides = array<i32>} : memref<32x32xi32, #tpu.memory_space<vmem>>, vector<1x16xi32>,
    %get3A_447 = vector.shape_cast %get3A_446 : vector<1x16xi32> to vector<16xi32>
    %swap3A_448 = arith.constant 288 : index
    %swap3A_449 = tpu.vector_load %arg13[%swap3A_448] {strides = array<i32>} : memref<512xi32, #tpu.memory_space<vmem>>, vector<16xi32>,
    %swap3A_450 = vector.shape_cast %swap3A_449 : vector<16xi32> to vector<16xi32>
    %swap3A_451 = vector.shape_cast %get3A_447 : vector<16xi32> to vector<16xi32>
    tpu.vector_store %arg13[%swap3A_448], %swap3A_451 {strides = array<i32>} : memref<512xi32, #tpu.memory_space<vmem>>, vector<16xi32>,
    %get3A_452 = arith.constant 18 : i32
    %get3A_453 = arith.index_cast %get3A_452 : i32 to index
    %get3A_454 = arith.constant 16 : index
    %get3A_455 = tpu.vector_load %arg11[%get3A_453, %get3A_454] {strides = array<i32>} : memref<32x32xi32, #tpu.memory_space<vmem>>, vector<1x16xi32>,
    %get3A_456 = vector.shape_cast %get3A_455 : vector<1x16xi32> to vector<16xi32>
    %swap3A_457 = arith.constant 18 : i32
    %swap3A_458 = arith.index_cast %swap3A_457 : i32 to index
    %swap3A_459 = arith.constant 0 : index
    %swap3A_460 = tpu.vector_load %arg12[%swap3A_458, %swap3A_459] {strides = array<i32>} : memref<32x16xi32, #tpu.memory_space<vmem>>, vector<1x16xi32>,
    %swap3A_461 = vector.shape_cast %swap3A_460 : vector<1x16xi32> to vector<16xi32>
    %swap3A_462 = vector.shape_cast %get3A_456 : vector<16xi32> to vector<1x16xi32>
    tpu.vector_store %arg12[%swap3A_458, %swap3A_459], %swap3A_462 {strides = array<i32>} : memref<32x16xi32, #tpu.memory_space<vmem>>, vector<1x16xi32>,
    %get3A_463 = arith.constant 19 : i32
    %get3A_464 = arith.index_cast %get3A_463 : i32 to index
    %get3A_465 = arith.constant 0 : index
    %get3A_466 = tpu.vector_load %arg11[%get3A_464, %get3A_465] {strides = array<i32>} : memref<32x32xi32, #tpu.memory_space<vmem>>, vector<1x16xi32>,
    %get3A_467 = vector.shape_cast %get3A_466 : vector<1x16xi32> to vector<16xi32>
    %swap3A_468 = arith.constant 304 : index
    %swap3A_469 = tpu.vector_load %arg13[%swap3A_468] {strides = array<i32>} : memref<512xi32, #tpu.memory_space<vmem>>, vector<16xi32>,
    %swap3A_470 = vector.shape_cast %swap3A_469 : vector<16xi32> to vector<16xi32>
    %swap3A_471 = vector.shape_cast %get3A_467 : vector<16xi32> to vector<16xi32>
    tpu.vector_store %arg13[%swap3A_468], %swap3A_471 {strides = array<i32>} : memref<512xi32, #tpu.memory_space<vmem>>, vector<16xi32>,
    %get3A_472 = arith.constant 19 : i32
    %get3A_473 = arith.index_cast %get3A_472 : i32 to index
    %get3A_474 = arith.constant 16 : index
    %get3A_475 = tpu.vector_load %arg11[%get3A_473, %get3A_474] {strides = array<i32>} : memref<32x32xi32, #tpu.memory_space<vmem>>, vector<1x16xi32>,
    %get3A_476 = vector.shape_cast %get3A_475 : vector<1x16xi32> to vector<16xi32>
    %swap3A_477 = arith.constant 19 : i32
    %swap3A_478 = arith.index_cast %swap3A_477 : i32 to index
    %swap3A_479 = arith.constant 0 : index
    %swap3A_480 = tpu.vector_load %arg12[%swap3A_478, %swap3A_479] {strides = array<i32>} : memref<32x16xi32, #tpu.memory_space<vmem>>, vector<1x16xi32>,
    %swap3A_481 = vector.shape_cast %swap3A_480 : vector<1x16xi32> to vector<16xi32>
    %swap3A_482 = vector.shape_cast %get3A_476 : vector<16xi32> to vector<1x16xi32>
    tpu.vector_store %arg12[%swap3A_478, %swap3A_479], %swap3A_482 {strides = array<i32>} : memref<32x16xi32, #tpu.memory_space<vmem>>, vector<1x16xi32>,
    %get3A_483 = arith.constant 20 : i32
    %get3A_484 = arith.index_cast %get3A_483 : i32 to index
    %get3A_485 = arith.constant 0 : index
    %get3A_486 = tpu.vector_load %arg11[%get3A_484, %get3A_485] {strides = array<i32>} : memref<32x32xi32, #tpu.memory_space<vmem>>, vector<1x16xi32>,
    %get3A_487 = vector.shape_cast %get3A_486 : vector<1x16xi32> to vector<16xi32>
    %swap3A_488 = arith.constant 320 : index
    %swap3A_489 = tpu.vector_load %arg13[%swap3A_488] {strides = array<i32>} : memref<512xi32, #tpu.memory_space<vmem>>, vector<16xi32>,
    %swap3A_490 = vector.shape_cast %swap3A_489 : vector<16xi32> to vector<16xi32>
    %swap3A_491 = vector.shape_cast %get3A_487 : vector<16xi32> to vector<16xi32>
    tpu.vector_store %arg13[%swap3A_488], %swap3A_491 {strides = array<i32>} : memref<512xi32, #tpu.memory_space<vmem>>, vector<16xi32>,
    %get3A_492 = arith.constant 20 : i32
    %get3A_493 = arith.index_cast %get3A_492 : i32 to index
    %get3A_494 = arith.constant 16 : index
    %get3A_495 = tpu.vector_load %arg11[%get3A_493, %get3A_494] {strides = array<i32>} : memref<32x32xi32, #tpu.memory_space<vmem>>, vector<1x16xi32>,
    %get3A_496 = vector.shape_cast %get3A_495 : vector<1x16xi32> to vector<16xi32>
    %swap3A_497 = arith.constant 20 : i32
    %swap3A_498 = arith.index_cast %swap3A_497 : i32 to index
    %swap3A_499 = arith.constant 0 : index
    %swap3A_500 = tpu.vector_load %arg12[%swap3A_498, %swap3A_499] {strides = array<i32>} : memref<32x16xi32, #tpu.memory_space<vmem>>, vector<1x16xi32>,
    %swap3A_501 = vector.shape_cast %swap3A_500 : vector<1x16xi32> to vector<16xi32>
    %swap3A_502 = vector.shape_cast %get3A_496 : vector<16xi32> to vector<1x16xi32>
    tpu.vector_store %arg12[%swap3A_498, %swap3A_499], %swap3A_502 {strides = array<i32>} : memref<32x16xi32, #tpu.memory_space<vmem>>, vector<1x16xi32>,
    %get3A_503 = arith.constant 21 : i32
    %get3A_504 = arith.index_cast %get3A_503 : i32 to index
    %get3A_505 = arith.constant 0 : index
    %get3A_506 = tpu.vector_load %arg11[%get3A_504, %get3A_505] {strides = array<i32>} : memref<32x32xi32, #tpu.memory_space<vmem>>, vector<1x16xi32>,
    %get3A_507 = vector.shape_cast %get3A_506 : vector<1x16xi32> to vector<16xi32>
    %swap3A_508 = arith.constant 336 : index
    %swap3A_509 = tpu.vector_load %arg13[%swap3A_508] {strides = array<i32>} : memref<512xi32, #tpu.memory_space<vmem>>, vector<16xi32>,
    %swap3A_510 = vector.shape_cast %swap3A_509 : vector<16xi32> to vector<16xi32>
    %swap3A_511 = vector.shape_cast %get3A_507 : vector<16xi32> to vector<16xi32>
    tpu.vector_store %arg13[%swap3A_508], %swap3A_511 {strides = array<i32>} : memref<512xi32, #tpu.memory_space<vmem>>, vector<16xi32>,
    %get3A_512 = arith.constant 21 : i32
    %get3A_513 = arith.index_cast %get3A_512 : i32 to index
    %get3A_514 = arith.constant 16 : index
    %get3A_515 = tpu.vector_load %arg11[%get3A_513, %get3A_514] {strides = array<i32>} : memref<32x32xi32, #tpu.memory_space<vmem>>, vector<1x16xi32>,
    %get3A_516 = vector.shape_cast %get3A_515 : vector<1x16xi32> to vector<16xi32>
    %swap3A_517 = arith.constant 21 : i32
    %swap3A_518 = arith.index_cast %swap3A_517 : i32 to index
    %swap3A_519 = arith.constant 0 : index
    %swap3A_520 = tpu.vector_load %arg12[%swap3A_518, %swap3A_519] {strides = array<i32>} : memref<32x16xi32, #tpu.memory_space<vmem>>, vector<1x16xi32>,
    %swap3A_521 = vector.shape_cast %swap3A_520 : vector<1x16xi32> to vector<16xi32>
    %swap3A_522 = vector.shape_cast %get3A_516 : vector<16xi32> to vector<1x16xi32>
    tpu.vector_store %arg12[%swap3A_518, %swap3A_519], %swap3A_522 {strides = array<i32>} : memref<32x16xi32, #tpu.memory_space<vmem>>, vector<1x16xi32>,
    %get3A_523 = arith.constant 22 : i32
    %get3A_524 = arith.index_cast %get3A_523 : i32 to index
    %get3A_525 = arith.constant 0 : index
    %get3A_526 = tpu.vector_load %arg11[%get3A_524, %get3A_525] {strides = array<i32>} : memref<32x32xi32, #tpu.memory_space<vmem>>, vector<1x16xi32>,
    %get3A_527 = vector.shape_cast %get3A_526 : vector<1x16xi32> to vector<16xi32>
    %swap3A_528 = arith.constant 352 : index
    %swap3A_529 = tpu.vector_load %arg13[%swap3A_528] {strides = array<i32>} : memref<512xi32, #tpu.memory_space<vmem>>, vector<16xi32>,
    %swap3A_530 = vector.shape_cast %swap3A_529 : vector<16xi32> to vector<16xi32>
    %swap3A_531 = vector.shape_cast %get3A_527 : vector<16xi32> to vector<16xi32>
    tpu.vector_store %arg13[%swap3A_528], %swap3A_531 {strides = array<i32>} : memref<512xi32, #tpu.memory_space<vmem>>, vector<16xi32>,
    %get3A_532 = arith.constant 22 : i32
    %get3A_533 = arith.index_cast %get3A_532 : i32 to index
    %get3A_534 = arith.constant 16 : index
    %get3A_535 = tpu.vector_load %arg11[%get3A_533, %get3A_534] {strides = array<i32>} : memref<32x32xi32, #tpu.memory_space<vmem>>, vector<1x16xi32>,
    %get3A_536 = vector.shape_cast %get3A_535 : vector<1x16xi32> to vector<16xi32>
    %swap3A_537 = arith.constant 22 : i32
    %swap3A_538 = arith.index_cast %swap3A_537 : i32 to index
    %swap3A_539 = arith.constant 0 : index
    %swap3A_540 = tpu.vector_load %arg12[%swap3A_538, %swap3A_539] {strides = array<i32>} : memref<32x16xi32, #tpu.memory_space<vmem>>, vector<1x16xi32>,
    %swap3A_541 = vector.shape_cast %swap3A_540 : vector<1x16xi32> to vector<16xi32>
    %swap3A_542 = vector.shape_cast %get3A_536 : vector<16xi32> to vector<1x16xi32>
    tpu.vector_store %arg12[%swap3A_538, %swap3A_539], %swap3A_542 {strides = array<i32>} : memref<32x16xi32, #tpu.memory_space<vmem>>, vector<1x16xi32>,
    %get3A_543 = arith.constant 23 : i32
    %get3A_544 = arith.index_cast %get3A_543 : i32 to index
    %get3A_545 = arith.constant 0 : index
    %get3A_546 = tpu.vector_load %arg11[%get3A_544, %get3A_545] {strides = array<i32>} : memref<32x32xi32, #tpu.memory_space<vmem>>, vector<1x16xi32>,
    %get3A_547 = vector.shape_cast %get3A_546 : vector<1x16xi32> to vector<16xi32>
    %swap3A_548 = arith.constant 368 : index
    %swap3A_549 = tpu.vector_load %arg13[%swap3A_548] {strides = array<i32>} : memref<512xi32, #tpu.memory_space<vmem>>, vector<16xi32>,
    %swap3A_550 = vector.shape_cast %swap3A_549 : vector<16xi32> to vector<16xi32>
    %swap3A_551 = vector.shape_cast %get3A_547 : vector<16xi32> to vector<16xi32>
    tpu.vector_store %arg13[%swap3A_548], %swap3A_551 {strides = array<i32>} : memref<512xi32, #tpu.memory_space<vmem>>, vector<16xi32>,
    %get3A_552 = arith.constant 23 : i32
    %get3A_553 = arith.index_cast %get3A_552 : i32 to index
    %get3A_554 = arith.constant 16 : index
    %get3A_555 = tpu.vector_load %arg11[%get3A_553, %get3A_554] {strides = array<i32>} : memref<32x32xi32, #tpu.memory_space<vmem>>, vector<1x16xi32>,
    %get3A_556 = vector.shape_cast %get3A_555 : vector<1x16xi32> to vector<16xi32>
    %swap3A_557 = arith.constant 23 : i32
    %swap3A_558 = arith.index_cast %swap3A_557 : i32 to index
    %swap3A_559 = arith.constant 0 : index
    %swap3A_560 = tpu.vector_load %arg12[%swap3A_558, %swap3A_559] {strides = array<i32>} : memref<32x16xi32, #tpu.memory_space<vmem>>, vector<1x16xi32>,
    %swap3A_561 = vector.shape_cast %swap3A_560 : vector<1x16xi32> to vector<16xi32>
    %swap3A_562 = vector.shape_cast %get3A_556 : vector<16xi32> to vector<1x16xi32>
    tpu.vector_store %arg12[%swap3A_558, %swap3A_559], %swap3A_562 {strides = array<i32>} : memref<32x16xi32, #tpu.memory_space<vmem>>, vector<1x16xi32>,
    %get3A_563 = arith.constant 24 : i32
    %get3A_564 = arith.index_cast %get3A_563 : i32 to index
    %get3A_565 = arith.constant 0 : index
    %get3A_566 = tpu.vector_load %arg11[%get3A_564, %get3A_565] {strides = array<i32>} : memref<32x32xi32, #tpu.memory_space<vmem>>, vector<1x16xi32>,
    %get3A_567 = vector.shape_cast %get3A_566 : vector<1x16xi32> to vector<16xi32>
    %swap3A_568 = arith.constant 384 : index
    %swap3A_569 = tpu.vector_load %arg13[%swap3A_568] {strides = array<i32>} : memref<512xi32, #tpu.memory_space<vmem>>, vector<16xi32>,
    %swap3A_570 = vector.shape_cast %swap3A_569 : vector<16xi32> to vector<16xi32>
    %swap3A_571 = vector.shape_cast %get3A_567 : vector<16xi32> to vector<16xi32>
    tpu.vector_store %arg13[%swap3A_568], %swap3A_571 {strides = array<i32>} : memref<512xi32, #tpu.memory_space<vmem>>, vector<16xi32>,
    %get3A_572 = arith.constant 24 : i32
    %get3A_573 = arith.index_cast %get3A_572 : i32 to index
    %get3A_574 = arith.constant 16 : index
    %get3A_575 = tpu.vector_load %arg11[%get3A_573, %get3A_574] {strides = array<i32>} : memref<32x32xi32, #tpu.memory_space<vmem>>, vector<1x16xi32>,
    %get3A_576 = vector.shape_cast %get3A_575 : vector<1x16xi32> to vector<16xi32>
    %swap3A_577 = arith.constant 24 : i32
    %swap3A_578 = arith.index_cast %swap3A_577 : i32 to index
    %swap3A_579 = arith.constant 0 : index
    %swap3A_580 = tpu.vector_load %arg12[%swap3A_578, %swap3A_579] {strides = array<i32>} : memref<32x16xi32, #tpu.memory_space<vmem>>, vector<1x16xi32>,
    %swap3A_581 = vector.shape_cast %swap3A_580 : vector<1x16xi32> to vector<16xi32>
    %swap3A_582 = vector.shape_cast %get3A_576 : vector<16xi32> to vector<1x16xi32>
    tpu.vector_store %arg12[%swap3A_578, %swap3A_579], %swap3A_582 {strides = array<i32>} : memref<32x16xi32, #tpu.memory_space<vmem>>, vector<1x16xi32>,
    %get3A_583 = arith.constant 25 : i32
    %get3A_584 = arith.index_cast %get3A_583 : i32 to index
    %get3A_585 = arith.constant 0 : index
    %get3A_586 = tpu.vector_load %arg11[%get3A_584, %get3A_585] {strides = array<i32>} : memref<32x32xi32, #tpu.memory_space<vmem>>, vector<1x16xi32>,
    %get3A_587 = vector.shape_cast %get3A_586 : vector<1x16xi32> to vector<16xi32>
    %swap3A_588 = arith.constant 400 : index
    %swap3A_589 = tpu.vector_load %arg13[%swap3A_588] {strides = array<i32>} : memref<512xi32, #tpu.memory_space<vmem>>, vector<16xi32>,
    %swap3A_590 = vector.shape_cast %swap3A_589 : vector<16xi32> to vector<16xi32>
    %swap3A_591 = vector.shape_cast %get3A_587 : vector<16xi32> to vector<16xi32>
    tpu.vector_store %arg13[%swap3A_588], %swap3A_591 {strides = array<i32>} : memref<512xi32, #tpu.memory_space<vmem>>, vector<16xi32>,
    %get3A_592 = arith.constant 25 : i32
    %get3A_593 = arith.index_cast %get3A_592 : i32 to index
    %get3A_594 = arith.constant 16 : index
    %get3A_595 = tpu.vector_load %arg11[%get3A_593, %get3A_594] {strides = array<i32>} : memref<32x32xi32, #tpu.memory_space<vmem>>, vector<1x16xi32>,
    %get3A_596 = vector.shape_cast %get3A_595 : vector<1x16xi32> to vector<16xi32>
    %swap3A_597 = arith.constant 25 : i32
    %swap3A_598 = arith.index_cast %swap3A_597 : i32 to index
    %swap3A_599 = arith.constant 0 : index
    %swap3A_600 = tpu.vector_load %arg12[%swap3A_598, %swap3A_599] {strides = array<i32>} : memref<32x16xi32, #tpu.memory_space<vmem>>, vector<1x16xi32>,
    %swap3A_601 = vector.shape_cast %swap3A_600 : vector<1x16xi32> to vector<16xi32>
    %swap3A_602 = vector.shape_cast %get3A_596 : vector<16xi32> to vector<1x16xi32>
    tpu.vector_store %arg12[%swap3A_598, %swap3A_599], %swap3A_602 {strides = array<i32>} : memref<32x16xi32, #tpu.memory_space<vmem>>, vector<1x16xi32>,
    %get3A_603 = arith.constant 26 : i32
    %get3A_604 = arith.index_cast %get3A_603 : i32 to index
    %get3A_605 = arith.constant 0 : index
    %get3A_606 = tpu.vector_load %arg11[%get3A_604, %get3A_605] {strides = array<i32>} : memref<32x32xi32, #tpu.memory_space<vmem>>, vector<1x16xi32>,
    %get3A_607 = vector.shape_cast %get3A_606 : vector<1x16xi32> to vector<16xi32>
    %swap3A_608 = arith.constant 416 : index
    %swap3A_609 = tpu.vector_load %arg13[%swap3A_608] {strides = array<i32>} : memref<512xi32, #tpu.memory_space<vmem>>, vector<16xi32>,
    %swap3A_610 = vector.shape_cast %swap3A_609 : vector<16xi32> to vector<16xi32>
    %swap3A_611 = vector.shape_cast %get3A_607 : vector<16xi32> to vector<16xi32>
    tpu.vector_store %arg13[%swap3A_608], %swap3A_611 {strides = array<i32>} : memref<512xi32, #tpu.memory_space<vmem>>, vector<16xi32>,
    %get3A_612 = arith.constant 26 : i32
    %get3A_613 = arith.index_cast %get3A_612 : i32 to index
    %get3A_614 = arith.constant 16 : index
    %get3A_615 = tpu.vector_load %arg11[%get3A_613, %get3A_614] {strides = array<i32>} : memref<32x32xi32, #tpu.memory_space<vmem>>, vector<1x16xi32>,
    %get3A_616 = vector.shape_cast %get3A_615 : vector<1x16xi32> to vector<16xi32>
    %swap3A_617 = arith.constant 26 : i32
    %swap3A_618 = arith.index_cast %swap3A_617 : i32 to index
    %swap3A_619 = arith.constant 0 : index
    %swap3A_620 = tpu.vector_load %arg12[%swap3A_618, %swap3A_619] {strides = array<i32>} : memref<32x16xi32, #tpu.memory_space<vmem>>, vector<1x16xi32>,
    %swap3A_621 = vector.shape_cast %swap3A_620 : vector<1x16xi32> to vector<16xi32>
    %swap3A_622 = vector.shape_cast %get3A_616 : vector<16xi32> to vector<1x16xi32>
    tpu.vector_store %arg12[%swap3A_618, %swap3A_619], %swap3A_622 {strides = array<i32>} : memref<32x16xi32, #tpu.memory_space<vmem>>, vector<1x16xi32>,
    %get3A_623 = arith.constant 27 : i32
    %get3A_624 = arith.index_cast %get3A_623 : i32 to index
    %get3A_625 = arith.constant 0 : index
    %get3A_626 = tpu.vector_load %arg11[%get3A_624, %get3A_625] {strides = array<i32>} : memref<32x32xi32, #tpu.memory_space<vmem>>, vector<1x16xi32>,
    %get3A_627 = vector.shape_cast %get3A_626 : vector<1x16xi32> to vector<16xi32>
    %swap3A_628 = arith.constant 432 : index
    %swap3A_629 = tpu.vector_load %arg13[%swap3A_628] {strides = array<i32>} : memref<512xi32, #tpu.memory_space<vmem>>, vector<16xi32>,
    %swap3A_630 = vector.shape_cast %swap3A_629 : vector<16xi32> to vector<16xi32>
    %swap3A_631 = vector.shape_cast %get3A_627 : vector<16xi32> to vector<16xi32>
    tpu.vector_store %arg13[%swap3A_628], %swap3A_631 {strides = array<i32>} : memref<512xi32, #tpu.memory_space<vmem>>, vector<16xi32>,
    %get3A_632 = arith.constant 27 : i32
    %get3A_633 = arith.index_cast %get3A_632 : i32 to index
    %get3A_634 = arith.constant 16 : index
    %get3A_635 = tpu.vector_load %arg11[%get3A_633, %get3A_634] {strides = array<i32>} : memref<32x32xi32, #tpu.memory_space<vmem>>, vector<1x16xi32>,
    %get3A_636 = vector.shape_cast %get3A_635 : vector<1x16xi32> to vector<16xi32>
    %swap3A_637 = arith.constant 27 : i32
    %swap3A_638 = arith.index_cast %swap3A_637 : i32 to index
    %swap3A_639 = arith.constant 0 : index
    %swap3A_640 = tpu.vector_load %arg12[%swap3A_638, %swap3A_639] {strides = array<i32>} : memref<32x16xi32, #tpu.memory_space<vmem>>, vector<1x16xi32>,
    %swap3A_641 = vector.shape_cast %swap3A_640 : vector<1x16xi32> to vector<16xi32>
    %swap3A_642 = vector.shape_cast %get3A_636 : vector<16xi32> to vector<1x16xi32>
    tpu.vector_store %arg12[%swap3A_638, %swap3A_639], %swap3A_642 {strides = array<i32>} : memref<32x16xi32, #tpu.memory_space<vmem>>, vector<1x16xi32>,
    %get3A_643 = arith.constant 28 : i32
    %get3A_644 = arith.index_cast %get3A_643 : i32 to index
    %get3A_645 = arith.constant 0 : index
    %get3A_646 = tpu.vector_load %arg11[%get3A_644, %get3A_645] {strides = array<i32>} : memref<32x32xi32, #tpu.memory_space<vmem>>, vector<1x16xi32>,
    %get3A_647 = vector.shape_cast %get3A_646 : vector<1x16xi32> to vector<16xi32>
    %swap3A_648 = arith.constant 448 : index
    %swap3A_649 = tpu.vector_load %arg13[%swap3A_648] {strides = array<i32>} : memref<512xi32, #tpu.memory_space<vmem>>, vector<16xi32>,
    %swap3A_650 = vector.shape_cast %swap3A_649 : vector<16xi32> to vector<16xi32>
    %swap3A_651 = vector.shape_cast %get3A_647 : vector<16xi32> to vector<16xi32>
    tpu.vector_store %arg13[%swap3A_648], %swap3A_651 {strides = array<i32>} : memref<512xi32, #tpu.memory_space<vmem>>, vector<16xi32>,
    %get3A_652 = arith.constant 28 : i32
    %get3A_653 = arith.index_cast %get3A_652 : i32 to index
    %get3A_654 = arith.constant 16 : index
    %get3A_655 = tpu.vector_load %arg11[%get3A_653, %get3A_654] {strides = array<i32>} : memref<32x32xi32, #tpu.memory_space<vmem>>, vector<1x16xi32>,
    %get3A_656 = vector.shape_cast %get3A_655 : vector<1x16xi32> to vector<16xi32>
    %swap3A_657 = arith.constant 28 : i32
    %swap3A_658 = arith.index_cast %swap3A_657 : i32 to index
    %swap3A_659 = arith.constant 0 : index
    %swap3A_660 = tpu.vector_load %arg12[%swap3A_658, %swap3A_659] {strides = array<i32>} : memref<32x16xi32, #tpu.memory_space<vmem>>, vector<1x16xi32>,
    %swap3A_661 = vector.shape_cast %swap3A_660 : vector<1x16xi32> to vector<16xi32>
    %swap3A_662 = vector.shape_cast %get3A_656 : vector<16xi32> to vector<1x16xi32>
    tpu.vector_store %arg12[%swap3A_658, %swap3A_659], %swap3A_662 {strides = array<i32>} : memref<32x16xi32, #tpu.memory_space<vmem>>, vector<1x16xi32>,
    %get3A_663 = arith.constant 29 : i32
    %get3A_664 = arith.index_cast %get3A_663 : i32 to index
    %get3A_665 = arith.constant 0 : index
    %get3A_666 = tpu.vector_load %arg11[%get3A_664, %get3A_665] {strides = array<i32>} : memref<32x32xi32, #tpu.memory_space<vmem>>, vector<1x16xi32>,
    %get3A_667 = vector.shape_cast %get3A_666 : vector<1x16xi32> to vector<16xi32>
    %swap3A_668 = arith.constant 464 : index
    %swap3A_669 = tpu.vector_load %arg13[%swap3A_668] {strides = array<i32>} : memref<512xi32, #tpu.memory_space<vmem>>, vector<16xi32>,
    %swap3A_670 = vector.shape_cast %swap3A_669 : vector<16xi32> to vector<16xi32>
    %swap3A_671 = vector.shape_cast %get3A_667 : vector<16xi32> to vector<16xi32>
    tpu.vector_store %arg13[%swap3A_668], %swap3A_671 {strides = array<i32>} : memref<512xi32, #tpu.memory_space<vmem>>, vector<16xi32>,
    %get3A_672 = arith.constant 29 : i32
    %get3A_673 = arith.index_cast %get3A_672 : i32 to index
    %get3A_674 = arith.constant 16 : index
    %get3A_675 = tpu.vector_load %arg11[%get3A_673, %get3A_674] {strides = array<i32>} : memref<32x32xi32, #tpu.memory_space<vmem>>, vector<1x16xi32>,
    %get3A_676 = vector.shape_cast %get3A_675 : vector<1x16xi32> to vector<16xi32>
    %swap3A_677 = arith.constant 29 : i32
    %swap3A_678 = arith.index_cast %swap3A_677 : i32 to index
    %swap3A_679 = arith.constant 0 : index
    %swap3A_680 = tpu.vector_load %arg12[%swap3A_678, %swap3A_679] {strides = array<i32>} : memref<32x16xi32, #tpu.memory_space<vmem>>, vector<1x16xi32>,
    %swap3A_681 = vector.shape_cast %swap3A_680 : vector<1x16xi32> to vector<16xi32>
    %swap3A_682 = vector.shape_cast %get3A_676 : vector<16xi32> to vector<1x16xi32>
    tpu.vector_store %arg12[%swap3A_678, %swap3A_679], %swap3A_682 {strides = array<i32>} : memref<32x16xi32, #tpu.memory_space<vmem>>, vector<1x16xi32>,
    %get3A_683 = arith.constant 30 : i32
    %get3A_684 = arith.index_cast %get3A_683 : i32 to index
    %get3A_685 = arith.constant 0 : index
    %get3A_686 = tpu.vector_load %arg11[%get3A_684, %get3A_685] {strides = array<i32>} : memref<32x32xi32, #tpu.memory_space<vmem>>, vector<1x16xi32>,
    %get3A_687 = vector.shape_cast %get3A_686 : vector<1x16xi32> to vector<16xi32>
    %swap3A_688 = arith.constant 480 : index
    %swap3A_689 = tpu.vector_load %arg13[%swap3A_688] {strides = array<i32>} : memref<512xi32, #tpu.memory_space<vmem>>, vector<16xi32>,
    %swap3A_690 = vector.shape_cast %swap3A_689 : vector<16xi32> to vector<16xi32>
    %swap3A_691 = vector.shape_cast %get3A_687 : vector<16xi32> to vector<16xi32>
    tpu.vector_store %arg13[%swap3A_688], %swap3A_691 {strides = array<i32>} : memref<512xi32, #tpu.memory_space<vmem>>, vector<16xi32>,
    %get3A_692 = arith.constant 30 : i32
    %get3A_693 = arith.index_cast %get3A_692 : i32 to index
    %get3A_694 = arith.constant 16 : index
    %get3A_695 = tpu.vector_load %arg11[%get3A_693, %get3A_694] {strides = array<i32>} : memref<32x32xi32, #tpu.memory_space<vmem>>, vector<1x16xi32>,
    %get3A_696 = vector.shape_cast %get3A_695 : vector<1x16xi32> to vector<16xi32>
    %swap3A_697 = arith.constant 30 : i32
    %swap3A_698 = arith.index_cast %swap3A_697 : i32 to index
    %swap3A_699 = arith.constant 0 : index
    %swap3A_700 = tpu.vector_load %arg12[%swap3A_698, %swap3A_699] {strides = array<i32>} : memref<32x16xi32, #tpu.memory_space<vmem>>, vector<1x16xi32>,
    %swap3A_701 = vector.shape_cast %swap3A_700 : vector<1x16xi32> to vector<16xi32>
    %swap3A_702 = vector.shape_cast %get3A_696 : vector<16xi32> to vector<1x16xi32>
    tpu.vector_store %arg12[%swap3A_698, %swap3A_699], %swap3A_702 {strides = array<i32>} : memref<32x16xi32, #tpu.memory_space<vmem>>, vector<1x16xi32>,
    %get3A_703 = arith.constant 31 : i32
    %get3A_704 = arith.index_cast %get3A_703 : i32 to index
    %get3A_705 = arith.constant 0 : index
    %get3A_706 = tpu.vector_load %arg11[%get3A_704, %get3A_705] {strides = array<i32>} : memref<32x32xi32, #tpu.memory_space<vmem>>, vector<1x16xi32>,
    %get3A_707 = vector.shape_cast %get3A_706 : vector<1x16xi32> to vector<16xi32>
    %swap3A_708 = arith.constant 496 : index
    %swap3A_709 = tpu.vector_load %arg13[%swap3A_708] {strides = array<i32>} : memref<512xi32, #tpu.memory_space<vmem>>, vector<16xi32>,
    %swap3A_710 = vector.shape_cast %swap3A_709 : vector<16xi32> to vector<16xi32>
    %swap3A_711 = vector.shape_cast %get3A_707 : vector<16xi32> to vector<16xi32>
    tpu.vector_store %arg13[%swap3A_708], %swap3A_711 {strides = array<i32>} : memref<512xi32, #tpu.memory_space<vmem>>, vector<16xi32>,
    %get3A_712 = arith.constant 31 : i32
    %get3A_713 = arith.index_cast %get3A_712 : i32 to index
    %get3A_714 = arith.constant 16 : index
    %get3A_715 = tpu.vector_load %arg11[%get3A_713, %get3A_714] {strides = array<i32>} : memref<32x32xi32, #tpu.memory_space<vmem>>, vector<1x16xi32>,
    %get3A_716 = vector.shape_cast %get3A_715 : vector<1x16xi32> to vector<16xi32>
    %swap3A_717 = arith.constant 31 : i32
    %swap3A_718 = arith.index_cast %swap3A_717 : i32 to index
    %swap3A_719 = arith.constant 0 : index
    %swap3A_720 = tpu.vector_load %arg12[%swap3A_718, %swap3A_719] {strides = array<i32>} : memref<32x16xi32, #tpu.memory_space<vmem>>, vector<1x16xi32>,
    %swap3A_721 = vector.shape_cast %swap3A_720 : vector<1x16xi32> to vector<16xi32>
    %swap3A_722 = vector.shape_cast %get3A_716 : vector<16xi32> to vector<1x16xi32>
    tpu.vector_store %arg12[%swap3A_718, %swap3A_719], %swap3A_722 {strides = array<i32>} : memref<32x16xi32, #tpu.memory_space<vmem>>, vector<1x16xi32>,
    "tpu.region"() ({
      %run_scoped3A = tpu.sem_alloc : memref<!tpu.dma_semaphore, #tpu.memory_space<semaphore_mem>>
      %dma_start3A_741 = arith.constant 0 : i32
      %dma_start3A_742 = tpu.memref_slice %arg6[%mul3A_4, %dma_start3A_741] : memref<1024x16xi32, #tpu.memory_space<hbm>> -> memref<32x16xi32, #tpu.memory_space<hbm>>
      %dma_start3A_743 = arith.constant 0 : i32
      %dma_start3A_744 = tpu.memref_slice %arg6[%mul3A_4, %dma_start3A_743] : memref<1024x16xi32, #tpu.memory_space<hbm>> -> memref<32x16xi32, #tpu.memory_space<hbm>>
      tpu.enqueue_dma source(%arg12 : memref<32x16xi32, #tpu.memory_space<vmem>>) target(%dma_start3A_744 : memref<32x16xi32, #tpu.memory_space<hbm>>) target_semaphore(%run_scoped3A : memref<!tpu.dma_semaphore, #tpu.memory_space<semaphore_mem>>)
      %dma_wait3A_745 = arith.constant 0 : i32
      %dma_wait3A_746 = tpu.memref_slice %arg6[%mul3A_4, %dma_wait3A_745] : memref<1024x16xi32, #tpu.memory_space<hbm>> -> memref<32x16xi32, #tpu.memory_space<hbm>>
      %dma_wait3A_747 = arith.constant 0 : i32
      %dma_wait3A_748 = tpu.memref_slice %arg6[%mul3A_4, %dma_wait3A_747] : memref<1024x16xi32, #tpu.memory_space<hbm>> -> memref<32x16xi32, #tpu.memory_space<hbm>>
      tpu.wait_dma2 semaphore(%run_scoped3A : memref<!tpu.dma_semaphore, #tpu.memory_space<semaphore_mem>>) src(%arg12 : memref<32x16xi32, #tpu.memory_space<vmem>>) dst(%dma_wait3A_748 : memref<32x16xi32, #tpu.memory_space<hbm>>)
      tpu.yield
    }) : () -> ()
    %dma_start3A_723 = arith.constant 0 : i32
    %dma_start3A_724 = arith.constant 0 : i32
    %dma_start3A_725 = tpu.memref_slice %arg2[%dma_start3A_723, %dma_start3A_724] : memref<100000x32xf32, #tpu.memory_space<hbm>> -> memref<100000x32xf32, #tpu.memory_space<hbm>>
    tpu.enqueue_indirect_dma source(%dma_start3A_725 : memref<100000x32xf32, #tpu.memory_space<hbm>>) target(%arg14 : memref<512x32xf32, #tpu.memory_space<vmem>>) offsets(%arg13 : memref<512xi32, #tpu.memory_space<vmem>>) semaphore(%arg20 : memref<!tpu.dma_semaphore, #tpu.memory_space<semaphore_mem>>)
    %dma_wait3A_726 = arith.constant 0 : i32
    %dma_wait3A_727 = arith.constant 0 : i32
    %dma_wait3A_728 = tpu.memref_slice %arg2[%dma_wait3A_726, %dma_wait3A_727] : memref<100000x32xf32, #tpu.memory_space<hbm>> -> memref<100000x32xf32, #tpu.memory_space<hbm>>
    tpu.wait_indirect_dma semaphore(%arg20 : memref<!tpu.dma_semaphore, #tpu.memory_space<semaphore_mem>>) src(%dma_wait3A_728 : memref<100000x32xf32, #tpu.memory_space<hbm>>) dst(%arg14 : memref<512x32xf32, #tpu.memory_space<vmem>>)
    %mul3A_729 = arith.constant 512 : i32
    %mul3A_730 = arith.muli %add3A, %mul3A_729 : i32
    %add3A_731 = arith.constant 135168 : i32
    %add3A_732 = arith.addi %add3A_731, %mul3A_730 : i32
    "tpu.region"() ({
      %run_scoped3A = tpu.sem_alloc : memref<!tpu.dma_semaphore, #tpu.memory_space<semaphore_mem>>
      %dma_start3A_741 = arith.constant 0 : i32
      %dma_start3A_742 = tpu.memref_slice %arg5[%add3A_732, %dma_start3A_741] : memref<151552x32xf32, #tpu.memory_space<hbm>> -> memref<512x32xf32, #tpu.memory_space<hbm>>
      %dma_start3A_743 = arith.constant 0 : i32
      %dma_start3A_744 = tpu.memref_slice %arg5[%add3A_732, %dma_start3A_743] : memref<151552x32xf32, #tpu.memory_space<hbm>> -> memref<512x32xf32, #tpu.memory_space<hbm>>
      tpu.enqueue_dma source(%arg14 : memref<512x32xf32, #tpu.memory_space<vmem>>) target(%dma_start3A_744 : memref<512x32xf32, #tpu.memory_space<hbm>>) target_semaphore(%run_scoped3A : memref<!tpu.dma_semaphore, #tpu.memory_space<semaphore_mem>>)
      %dma_wait3A_745 = arith.constant 0 : i32
      %dma_wait3A_746 = tpu.memref_slice %arg5[%add3A_732, %dma_wait3A_745] : memref<151552x32xf32, #tpu.memory_space<hbm>> -> memref<512x32xf32, #tpu.memory_space<hbm>>
      %dma_wait3A_747 = arith.constant 0 : i32
      %dma_wait3A_748 = tpu.memref_slice %arg5[%add3A_732, %dma_wait3A_747] : memref<151552x32xf32, #tpu.memory_space<hbm>> -> memref<512x32xf32, #tpu.memory_space<hbm>>
      tpu.wait_dma2 semaphore(%run_scoped3A : memref<!tpu.dma_semaphore, #tpu.memory_space<semaphore_mem>>) src(%arg14 : memref<512x32xf32, #tpu.memory_space<vmem>>) dst(%dma_wait3A_748 : memref<512x32xf32, #tpu.memory_space<hbm>>)
      tpu.yield
    }) : () -> ()
    %dma_wait3A_733 = arith.constant 0 : i32
    %dma_wait3A_734 = tpu.memref_slice %arg5[%add3A_66, %dma_wait3A_733] : memref<151552x32xf32, #tpu.memory_space<hbm>> -> memref<1056x32xf32, #tpu.memory_space<hbm>>
    %dma_wait3A_735 = arith.constant 0 : i32
    %dma_wait3A_736 = tpu.memref_slice %arg5[%add3A_66, %dma_wait3A_735] : memref<151552x32xf32, #tpu.memory_space<hbm>> -> memref<1056x32xf32, #tpu.memory_space<hbm>>
    tpu.wait_dma2 semaphore(%arg17 : memref<!tpu.dma_semaphore, #tpu.memory_space<semaphore_mem>>) src(%arg8 : memref<1056x32xf32, #tpu.memory_space<vmem>>) dst(%dma_wait3A_736 : memref<1056x32xf32, #tpu.memory_space<hbm>>)
    %dma_wait3A_737 = arith.constant 0 : i32
    %dma_wait3A_738 = tpu.memref_slice %arg5[%add3A_77, %dma_wait3A_737] : memref<151552x32xf32, #tpu.memory_space<hbm>> -> memref<1056x32xf32, #tpu.memory_space<hbm>>
    %dma_wait3A_739 = arith.constant 0 : i32
    %dma_wait3A_740 = tpu.memref_slice %arg5[%add3A_77, %dma_wait3A_739] : memref<151552x32xf32, #tpu.memory_space<hbm>> -> memref<1056x32xf32, #tpu.memory_space<hbm>>
    tpu.wait_dma2 semaphore(%arg18 : memref<!tpu.dma_semaphore, #tpu.memory_space<semaphore_mem>>) src(%arg9 : memref<1056x32xf32, #tpu.memory_space<vmem>>) dst(%dma_wait3A_740 : memref<1056x32xf32, #tpu.memory_space<hbm>>)
    return
  }
}

module attributes {stable_mosaic.version = 14 : i64} {
  func.func @_tc_body(%arg0: i32, %arg1: memref<128x32xf32, #tpu.memory_space<vmem>>, %arg2: memref<4096x32xf32, #tpu.memory_space<vmem>>, %arg3: memref<4096x32xf32, #tpu.memory_space<vmem>>, %arg4: memref<4096x32xf32, #tpu.memory_space<vmem>>, %arg5: memref<4096x32xf32, #tpu.memory_space<vmem>>, %arg6: memref<2048x32xf32, #tpu.memory_space<vmem>>, %arg7: memref<2x128x32xi32, #tpu.memory_space<vmem>>, %arg8: memref<128x16xi32, #tpu.memory_space<vmem>>, %arg9: memref<32x1024xf32, #tpu.memory_space<vmem>>, %arg10: memref<32x32xf32, #tpu.memory_space<vmem>>, %arg11: memref<32x32xf32, #tpu.memory_space<vmem>>, %arg12: memref<32x32xf32, #tpu.memory_space<vmem>>, %arg13: memref<32x32xf32, #tpu.memory_space<vmem>>, %arg14: memref<32x32xf32, #tpu.memory_space<vmem>>, %arg15: memref<1x32xf32, #tpu.memory_space<vmem>>, %arg16: memref<1x32xf32, #tpu.memory_space<vmem>>, %arg17: memref<1x32xf32, #tpu.memory_space<vmem>>, %arg18: memref<1x1x128xf32, #tpu.memory_space<vmem>>, %arg19: memref<1x1xf32, #tpu.memory_space<vmem>>) attributes {dimension_semantics = [#tpu.dimension_semantics<arbitrary>], iteration_bounds = array<i64: 8>, scalar_prefetch = 0 : i64, scratch_operands = 0 : i64, tpu.core_type = #tpu.core_type<tc>, window_params = [{transform_indices = @transform_0, window_bounds = array<i64: 128, 32>}, {transform_indices = @transform_1, window_bounds = array<i64: 4096, 32>}, {transform_indices = @transform_2, window_bounds = array<i64: 4096, 32>}, {transform_indices = @transform_3, window_bounds = array<i64: 4096, 32>}, {transform_indices = @transform_4, window_bounds = array<i64: 4096, 32>}, {transform_indices = @transform_5, window_bounds = array<i64: 2048, 32>}, {transform_indices = @transform_6, window_bounds = array<i64: 2, 128, 32>}, {transform_indices = @transform_7, window_bounds = array<i64: 128, 16>}, {pipeline_mode = #tpu.pipeline_mode<synchronous>, transform_indices = @transform_8, window_bounds = array<i64: 32, 1024>}, {pipeline_mode = #tpu.pipeline_mode<synchronous>, transform_indices = @transform_9, window_bounds = array<i64: 32, 32>}, {pipeline_mode = #tpu.pipeline_mode<synchronous>, transform_indices = @transform_10, window_bounds = array<i64: 32, 32>}, {pipeline_mode = #tpu.pipeline_mode<synchronous>, transform_indices = @transform_11, window_bounds = array<i64: 32, 32>}, {pipeline_mode = #tpu.pipeline_mode<synchronous>, transform_indices = @transform_12, window_bounds = array<i64: 32, 32>}, {pipeline_mode = #tpu.pipeline_mode<synchronous>, transform_indices = @transform_13, window_bounds = array<i64: 32, 32>}, {pipeline_mode = #tpu.pipeline_mode<synchronous>, transform_indices = @transform_14, window_bounds = array<i64: 1, 32>}, {pipeline_mode = #tpu.pipeline_mode<synchronous>, transform_indices = @transform_15, window_bounds = array<i64: 1, 32>}, {pipeline_mode = #tpu.pipeline_mode<synchronous>, transform_indices = @transform_16, window_bounds = array<i64: 1, 32>}, {transform_indices = @transform_17, window_bounds = array<i64: 1, 1, 128>}, {pipeline_mode = #tpu.pipeline_mode<synchronous>, transform_indices = @transform_18, window_bounds = array<i64: 1, 1>}]} {
    %get3A = arith.constant 0 : index
    %get3A_0 = arith.constant 0 : index
    %get3A_1 = vector.load %arg1[%get3A, %get3A_0] : memref<128x32xf32, #tpu.memory_space<vmem>>, vector<128x32xf32>
    %get3A_2 = arith.constant 0 : index
    %get3A_3 = arith.constant 0 : index
    %get3A_4 = vector.load %arg9[%get3A_2, %get3A_3] : memref<32x1024xf32, #tpu.memory_space<vmem>>, vector<32x1024xf32>
    %get3A_5 = arith.constant 0 : index
    %get3A_6 = arith.constant 0 : index
    %get3A_7 = vector.load %arg10[%get3A_5, %get3A_6] : memref<32x32xf32, #tpu.memory_space<vmem>>, vector<32x32xf32>
    %get3A_8 = arith.constant 0 : index
    %get3A_9 = arith.constant 0 : index
    %get3A_10 = vector.load %arg2[%get3A_8, %get3A_9] : memref<4096x32xf32, #tpu.memory_space<vmem>>, vector<4096x32xf32>
    %reshape3A = vector.shape_cast %get3A_10 : vector<4096x32xf32> to vector<128x32x32xf32>
    %get3A_11 = arith.constant 0 : index
    %get3A_12 = arith.constant 0 : index
    %get3A_13 = vector.load %arg4[%get3A_11, %get3A_12] : memref<4096x32xf32, #tpu.memory_space<vmem>>, vector<4096x32xf32>
    %reshape3A_14 = vector.shape_cast %get3A_13 : vector<4096x32xf32> to vector<128x32x32xf32>
    %get3A_15 = arith.constant 0 : index
    %get3A_16 = arith.constant 0 : index
    %get3A_17 = arith.constant 0 : index
    %get3A_18 = vector.load %arg7[%get3A_15, %get3A_16, %get3A_17] : memref<2x128x32xi32, #tpu.memory_space<vmem>>, vector<1x128x32xi32>
    %get3A_19 = vector.shape_cast %get3A_18 : vector<1x128x32xi32> to vector<128x32xi32>
    %dot_general3A = arith.constant dense<0.000000e+00> : vector<128x1024xf32>
    %dot_general3A_20 = tpu.matmul %get3A_1, %get3A_4, %dot_general3A {dimension_numbers = #tpu.dot_dimension_numbers<[1], [0], [0], [1], [0, 0, 1, 1], [], []>, transpose_lhs_hint = false} : vector<128x32xf32>, vector<32x1024xf32>, vector<128x1024xf32> -> vector<128x1024xf32>
    %reshape3A_21 = vector.shape_cast %dot_general3A_20 : vector<128x1024xf32> to vector<128x32x32xf32>
    %dot_general3A_22 = arith.constant dense<0.000000e+00> : vector<128x32x32xf32>
    %dot_general3A_23 = tpu.matmul %reshape3A, %reshape3A_21, %dot_general3A_22 {dimension_numbers = #tpu.dot_dimension_numbers<[2], [2], [1], [1], [0, 0, 0, 1, 1, 1], [0], [0]>, transpose_lhs_hint = false} : vector<128x32x32xf32>, vector<128x32x32xf32>, vector<128x32x32xf32> -> vector<128x32x32xf32>
    %broadcast_in_dim3A = vector.shape_cast %get3A_19 : vector<128x32xi32> to vector<128x32x1xi32>
    %iota3A = tpu.iota {dimensions = array<i32: 2>} : vector<128x32x32xi32>
    %eq3A = vector.broadcast %broadcast_in_dim3A : vector<128x32x1xi32> to vector<128x32x32xi32>
    %eq3A_24 = arith.cmpi eq, %eq3A, %iota3A : vector<128x32x32xi32>
    %convert_element_type3A = arith.extui %eq3A_24 : vector<128x32x32xi1> to vector<128x32x32xi32>
    %convert_element_type3A_25 = arith.sitofp %convert_element_type3A : vector<128x32x32xi32> to vector<128x32x32xf32>
    %mul3A = arith.mulf %dot_general3A_23, %convert_element_type3A_25 : vector<128x32x32xf32>
    %reduce_sum3A = arith.constant dense<0.000000e+00> : vector<128x32xf32>
    %reduce_sum3A_26 = vector.multi_reduction <add>, %mul3A, %reduce_sum3A [2] : vector<128x32x32xf32> to vector<128x32xf32>
    %reduce_max3A = arith.constant dense<0xFF800000> : vector<128xf32>
    %reduce_max3A_27 = vector.multi_reduction <maximumf>, %reduce_sum3A_26, %reduce_max3A [1] : vector<128x32xf32> to vector<128xf32>
    %broadcast_in_dim3A_28 = vector.shape_cast %reduce_max3A_27 : vector<128xf32> to vector<128x1xf32>
    %sub3A = vector.broadcast %broadcast_in_dim3A_28 : vector<128x1xf32> to vector<128x32xf32>
    %sub3A_29 = arith.subf %reduce_sum3A_26, %sub3A : vector<128x32xf32>
    %exp3A = math.exp %sub3A_29 : vector<128x32xf32>
    %reduce_sum3A_30 = arith.constant dense<0.000000e+00> : vector<128xf32>
    %reduce_sum3A_31 = vector.multi_reduction <add>, %exp3A, %reduce_sum3A_30 [1] : vector<128x32xf32> to vector<128xf32>
    %broadcast_in_dim3A_32 = vector.shape_cast %reduce_sum3A_31 : vector<128xf32> to vector<128x1xf32>
    %div3A = vector.broadcast %broadcast_in_dim3A_32 : vector<128x1xf32> to vector<128x32xf32>
    %div3A_33 = arith.divf %exp3A, %div3A : vector<128x32xf32>
    %broadcast_in_dim3A_34 = vector.shape_cast %div3A_33 : vector<128x32xf32> to vector<128x32x1xf32>
    %mul3A_35 = vector.broadcast %broadcast_in_dim3A_34 : vector<128x32x1xf32> to vector<128x32x32xf32>
    %mul3A_36 = arith.mulf %mul3A_35, %reshape3A_14 : vector<128x32x32xf32>
    %reduce_sum3A_37 = arith.constant dense<0.000000e+00> : vector<128x32xf32>
    %reduce_sum3A_38 = vector.multi_reduction <add>, %mul3A_36, %reduce_sum3A_37 [1] : vector<128x32x32xf32> to vector<128x32xf32>
    %reshape3A_39 = vector.shape_cast %convert_element_type3A_25 : vector<128x32x32xf32> to vector<4096x32xf32>
    %dot_general3A_40 = arith.constant dense<0.000000e+00> : vector<4096x32xf32>
    %dot_general3A_41 = tpu.matmul %reshape3A_39, %get3A_7, %dot_general3A_40 {dimension_numbers = #tpu.dot_dimension_numbers<[1], [0], [0], [1], [0, 0, 1, 1], [], []>, transpose_lhs_hint = false} : vector<4096x32xf32>, vector<32x32xf32>, vector<4096x32xf32> -> vector<4096x32xf32>
    %reshape3A_42 = vector.shape_cast %dot_general3A_41 : vector<4096x32xf32> to vector<128x32x32xf32>
    %sub3A_43 = arith.subf %reshape3A, %reshape3A_14 : vector<128x32x32xf32>
    %add3A = arith.addf %sub3A_43, %reshape3A_42 : vector<128x32x32xf32>
    %mul3A_44 = arith.mulf %add3A, %add3A : vector<128x32x32xf32>
    %reduce_sum3A_45 = vector.shape_cast %mul3A_44 : vector<128x32x32xf32> to vector<1x128x32x32xf32>
    %reduce_sum3A_46 = arith.constant dense<0.000000e+00> : vector<1xf32>
    %reduce_sum3A_47 = vector.multi_reduction <add>, %reduce_sum3A_45, %reduce_sum3A_46 [1, 2, 3] : vector<1x128x32x32xf32> to vector<1xf32>
    %reduce_sum3A_48 = vector.shape_cast %reduce_sum3A_47 : vector<1xf32> to vector<1x1x1x1xf32>
    %reduce_sum3A_49 = vector.extract %reduce_sum3A_48[0, 0, 0, 0] : f32 from vector<1x1x1x1xf32>
    %add3A_50 = arith.constant 0.000000e+00 : f32
    %add3A_51 = arith.addf %add3A_50, %reduce_sum3A_49 : f32
    %add3A_52 = arith.addf %reduce_sum3A_38, %get3A_1 : vector<128x32xf32>
    %get3A_53 = arith.constant 0 : index
    %get3A_54 = arith.constant 0 : index
    %get3A_55 = vector.load %arg12[%get3A_53, %get3A_54] : memref<32x32xf32, #tpu.memory_space<vmem>>, vector<32x32xf32>
    %dot_general3A_56 = arith.constant dense<0.000000e+00> : vector<128x32xf32>
    %dot_general3A_57 = tpu.matmul %add3A_52, %get3A_55, %dot_general3A_56 {dimension_numbers = #tpu.dot_dimension_numbers<[1], [0], [0], [1], [0, 0, 1, 1], [], []>, transpose_lhs_hint = false} : vector<128x32xf32>, vector<32x32xf32>, vector<128x32xf32> -> vector<128x32xf32>
    %get3A_58 = arith.constant 0 : index
    %get3A_59 = arith.constant 0 : index
    %get3A_60 = vector.load %arg15[%get3A_58, %get3A_59] : memref<1x32xf32, #tpu.memory_space<vmem>>, vector<1x32xf32>
    %add3A_61 = vector.broadcast %get3A_60 : vector<1x32xf32> to vector<128x32xf32>
    %add3A_62 = arith.addf %dot_general3A_57, %add3A_61 : vector<128x32xf32>
    %tanh3A = math.tanh %add3A_62 : vector<128x32xf32>
    %get3A_63 = arith.constant 0 : index
    %get3A_64 = arith.constant 0 : index
    %get3A_65 = vector.load %arg3[%get3A_63, %get3A_64] : memref<4096x32xf32, #tpu.memory_space<vmem>>, vector<4096x32xf32>
    %reshape3A_66 = vector.shape_cast %get3A_65 : vector<4096x32xf32> to vector<128x32x32xf32>
    %get3A_67 = arith.constant 0 : index
    %get3A_68 = arith.constant 0 : index
    %get3A_69 = vector.load %arg5[%get3A_67, %get3A_68] : memref<4096x32xf32, #tpu.memory_space<vmem>>, vector<4096x32xf32>
    %reshape3A_70 = vector.shape_cast %get3A_69 : vector<4096x32xf32> to vector<128x32x32xf32>
    %get3A_71 = arith.constant 1 : index
    %get3A_72 = arith.constant 0 : index
    %get3A_73 = arith.constant 0 : index
    %get3A_74 = vector.load %arg7[%get3A_71, %get3A_72, %get3A_73] : memref<2x128x32xi32, #tpu.memory_space<vmem>>, vector<1x128x32xi32>
    %get3A_75 = vector.shape_cast %get3A_74 : vector<1x128x32xi32> to vector<128x32xi32>
    %dot_general3A_76 = arith.constant dense<0.000000e+00> : vector<128x1024xf32>
    %dot_general3A_77 = tpu.matmul %tanh3A, %get3A_4, %dot_general3A_76 {dimension_numbers = #tpu.dot_dimension_numbers<[1], [0], [0], [1], [0, 0, 1, 1], [], []>, transpose_lhs_hint = false} : vector<128x32xf32>, vector<32x1024xf32>, vector<128x1024xf32> -> vector<128x1024xf32>
    %reshape3A_78 = vector.shape_cast %dot_general3A_77 : vector<128x1024xf32> to vector<128x32x32xf32>
    %dot_general3A_79 = arith.constant dense<0.000000e+00> : vector<128x32x32xf32>
    %dot_general3A_80 = tpu.matmul %reshape3A_66, %reshape3A_78, %dot_general3A_79 {dimension_numbers = #tpu.dot_dimension_numbers<[2], [2], [1], [1], [0, 0, 0, 1, 1, 1], [0], [0]>, transpose_lhs_hint = false} : vector<128x32x32xf32>, vector<128x32x32xf32>, vector<128x32x32xf32> -> vector<128x32x32xf32>
    %broadcast_in_dim3A_81 = vector.shape_cast %get3A_75 : vector<128x32xi32> to vector<128x32x1xi32>
    %iota3A_82 = tpu.iota {dimensions = array<i32: 2>} : vector<128x32x32xi32>
    %eq3A_83 = vector.broadcast %broadcast_in_dim3A_81 : vector<128x32x1xi32> to vector<128x32x32xi32>
    %eq3A_84 = arith.cmpi eq, %eq3A_83, %iota3A_82 : vector<128x32x32xi32>
    %convert_element_type3A_85 = arith.extui %eq3A_84 : vector<128x32x32xi1> to vector<128x32x32xi32>
    %convert_element_type3A_86 = arith.sitofp %convert_element_type3A_85 : vector<128x32x32xi32> to vector<128x32x32xf32>
    %mul3A_87 = arith.mulf %dot_general3A_80, %convert_element_type3A_86 : vector<128x32x32xf32>
    %reduce_sum3A_88 = arith.constant dense<0.000000e+00> : vector<128x32xf32>
    %reduce_sum3A_89 = vector.multi_reduction <add>, %mul3A_87, %reduce_sum3A_88 [2] : vector<128x32x32xf32> to vector<128x32xf32>
    %reduce_max3A_90 = arith.constant dense<0xFF800000> : vector<128xf32>
    %reduce_max3A_91 = vector.multi_reduction <maximumf>, %reduce_sum3A_89, %reduce_max3A_90 [1] : vector<128x32xf32> to vector<128xf32>
    %broadcast_in_dim3A_92 = vector.shape_cast %reduce_max3A_91 : vector<128xf32> to vector<128x1xf32>
    %sub3A_93 = vector.broadcast %broadcast_in_dim3A_92 : vector<128x1xf32> to vector<128x32xf32>
    %sub3A_94 = arith.subf %reduce_sum3A_89, %sub3A_93 : vector<128x32xf32>
    %exp3A_95 = math.exp %sub3A_94 : vector<128x32xf32>
    %reduce_sum3A_96 = arith.constant dense<0.000000e+00> : vector<128xf32>
    %reduce_sum3A_97 = vector.multi_reduction <add>, %exp3A_95, %reduce_sum3A_96 [1] : vector<128x32xf32> to vector<128xf32>
    %broadcast_in_dim3A_98 = vector.shape_cast %reduce_sum3A_97 : vector<128xf32> to vector<128x1xf32>
    %div3A_99 = vector.broadcast %broadcast_in_dim3A_98 : vector<128x1xf32> to vector<128x32xf32>
    %div3A_100 = arith.divf %exp3A_95, %div3A_99 : vector<128x32xf32>
    %broadcast_in_dim3A_101 = vector.shape_cast %div3A_100 : vector<128x32xf32> to vector<128x32x1xf32>
    %mul3A_102 = vector.broadcast %broadcast_in_dim3A_101 : vector<128x32x1xf32> to vector<128x32x32xf32>
    %mul3A_103 = arith.mulf %mul3A_102, %reshape3A_70 : vector<128x32x32xf32>
    %reduce_sum3A_104 = arith.constant dense<0.000000e+00> : vector<128x32xf32>
    %reduce_sum3A_105 = vector.multi_reduction <add>, %mul3A_103, %reduce_sum3A_104 [1] : vector<128x32x32xf32> to vector<128x32xf32>
    %reshape3A_106 = vector.shape_cast %convert_element_type3A_86 : vector<128x32x32xf32> to vector<4096x32xf32>
    %dot_general3A_107 = arith.constant dense<0.000000e+00> : vector<4096x32xf32>
    %dot_general3A_108 = tpu.matmul %reshape3A_106, %get3A_7, %dot_general3A_107 {dimension_numbers = #tpu.dot_dimension_numbers<[1], [0], [0], [1], [0, 0, 1, 1], [], []>, transpose_lhs_hint = false} : vector<4096x32xf32>, vector<32x32xf32>, vector<4096x32xf32> -> vector<4096x32xf32>
    %reshape3A_109 = vector.shape_cast %dot_general3A_108 : vector<4096x32xf32> to vector<128x32x32xf32>
    %sub3A_110 = arith.subf %reshape3A_66, %reshape3A_70 : vector<128x32x32xf32>
    %add3A_111 = arith.addf %sub3A_110, %reshape3A_109 : vector<128x32x32xf32>
    %mul3A_112 = arith.mulf %add3A_111, %add3A_111 : vector<128x32x32xf32>
    %reduce_sum3A_113 = vector.shape_cast %mul3A_112 : vector<128x32x32xf32> to vector<1x128x32x32xf32>
    %reduce_sum3A_114 = arith.constant dense<0.000000e+00> : vector<1xf32>
    %reduce_sum3A_115 = vector.multi_reduction <add>, %reduce_sum3A_113, %reduce_sum3A_114 [1, 2, 3] : vector<1x128x32x32xf32> to vector<1xf32>
    %reduce_sum3A_116 = vector.shape_cast %reduce_sum3A_115 : vector<1xf32> to vector<1x1x1x1xf32>
    %reduce_sum3A_117 = vector.extract %reduce_sum3A_116[0, 0, 0, 0] : f32 from vector<1x1x1x1xf32>
    %add3A_118 = arith.addf %add3A_51, %reduce_sum3A_117 : f32
    %add3A_119 = arith.addf %reduce_sum3A_105, %tanh3A : vector<128x32xf32>
    %get3A_120 = arith.constant 0 : index
    %get3A_121 = arith.constant 0 : index
    %get3A_122 = vector.load %arg13[%get3A_120, %get3A_121] : memref<32x32xf32, #tpu.memory_space<vmem>>, vector<32x32xf32>
    %dot_general3A_123 = arith.constant dense<0.000000e+00> : vector<128x32xf32>
    %dot_general3A_124 = tpu.matmul %add3A_119, %get3A_122, %dot_general3A_123 {dimension_numbers = #tpu.dot_dimension_numbers<[1], [0], [0], [1], [0, 0, 1, 1], [], []>, transpose_lhs_hint = false} : vector<128x32xf32>, vector<32x32xf32>, vector<128x32xf32> -> vector<128x32xf32>
    %get3A_125 = arith.constant 0 : index
    %get3A_126 = arith.constant 0 : index
    %get3A_127 = vector.load %arg16[%get3A_125, %get3A_126] : memref<1x32xf32, #tpu.memory_space<vmem>>, vector<1x32xf32>
    %add3A_128 = vector.broadcast %get3A_127 : vector<1x32xf32> to vector<128x32xf32>
    %add3A_129 = arith.addf %dot_general3A_124, %add3A_128 : vector<128x32xf32>
    %tanh3A_130 = math.tanh %add3A_129 : vector<128x32xf32>
    %get3A_131 = arith.constant 0 : index
    %get3A_132 = arith.constant 0 : index
    %get3A_133 = vector.load %arg6[%get3A_131, %get3A_132] : memref<2048x32xf32, #tpu.memory_space<vmem>>, vector<2048x32xf32>
    %reshape3A_134 = vector.shape_cast %get3A_133 : vector<2048x32xf32> to vector<128x16x32xf32>
    %get3A_135 = arith.constant 0 : index
    %get3A_136 = arith.constant 0 : index
    %get3A_137 = vector.load %arg8[%get3A_135, %get3A_136] : memref<128x16xi32, #tpu.memory_space<vmem>>, vector<128x16xi32>
    %broadcast_in_dim3A_138 = vector.shape_cast %get3A_137 : vector<128x16xi32> to vector<128x16x1xi32>
    %iota3A_139 = tpu.iota {dimensions = array<i32: 2>} : vector<128x16x32xi32>
    %eq3A_140 = vector.broadcast %broadcast_in_dim3A_138 : vector<128x16x1xi32> to vector<128x16x32xi32>
    %eq3A_141 = arith.cmpi eq, %eq3A_140, %iota3A_139 : vector<128x16x32xi32>
    %convert_element_type3A_142 = arith.extui %eq3A_141 : vector<128x16x32xi1> to vector<128x16x32xi32>
    %convert_element_type3A_143 = arith.sitofp %convert_element_type3A_142 : vector<128x16x32xi32> to vector<128x16x32xf32>
    %reshape3A_144 = vector.shape_cast %convert_element_type3A_143 : vector<128x16x32xf32> to vector<2048x32xf32>
    %get3A_145 = arith.constant 0 : index
    %get3A_146 = arith.constant 0 : index
    %get3A_147 = vector.load %arg11[%get3A_145, %get3A_146] : memref<32x32xf32, #tpu.memory_space<vmem>>, vector<32x32xf32>
    %dot_general3A_148 = arith.constant dense<0.000000e+00> : vector<2048x32xf32>
    %dot_general3A_149 = tpu.matmul %reshape3A_144, %get3A_147, %dot_general3A_148 {dimension_numbers = #tpu.dot_dimension_numbers<[1], [0], [0], [1], [0, 0, 1, 1], [], []>, transpose_lhs_hint = false} : vector<2048x32xf32>, vector<32x32xf32>, vector<2048x32xf32> -> vector<2048x32xf32>
    %reshape3A_150 = vector.shape_cast %dot_general3A_149 : vector<2048x32xf32> to vector<128x16x32xf32>
    %broadcast_in_dim3A_151 = vector.shape_cast %tanh3A_130 : vector<128x32xf32> to vector<128x1x32xf32>
    %mul3A_152 = vector.broadcast %broadcast_in_dim3A_151 : vector<128x1x32xf32> to vector<128x16x32xf32>
    %mul3A_153 = arith.mulf %mul3A_152, %reshape3A_150 : vector<128x16x32xf32>
    %reduce_sum3A_154 = arith.constant dense<0.000000e+00> : vector<128x16xf32>
    %reduce_sum3A_155 = vector.multi_reduction <add>, %mul3A_153, %reduce_sum3A_154 [2] : vector<128x16x32xf32> to vector<128x16xf32>
    %reduce_max3A_156 = arith.constant dense<0xFF800000> : vector<128xf32>
    %reduce_max3A_157 = vector.multi_reduction <maximumf>, %reduce_sum3A_155, %reduce_max3A_156 [1] : vector<128x16xf32> to vector<128xf32>
    %broadcast_in_dim3A_158 = vector.shape_cast %reduce_max3A_157 : vector<128xf32> to vector<128x1xf32>
    %sub3A_159 = vector.broadcast %broadcast_in_dim3A_158 : vector<128x1xf32> to vector<128x16xf32>
    %sub3A_160 = arith.subf %reduce_sum3A_155, %sub3A_159 : vector<128x16xf32>
    %exp3A_161 = math.exp %sub3A_160 : vector<128x16xf32>
    %reduce_sum3A_162 = arith.constant dense<0.000000e+00> : vector<128xf32>
    %reduce_sum3A_163 = vector.multi_reduction <add>, %exp3A_161, %reduce_sum3A_162 [1] : vector<128x16xf32> to vector<128xf32>
    %broadcast_in_dim3A_164 = vector.shape_cast %reduce_sum3A_163 : vector<128xf32> to vector<128x1xf32>
    %div3A_165 = vector.broadcast %broadcast_in_dim3A_164 : vector<128x1xf32> to vector<128x16xf32>
    %div3A_166 = arith.divf %exp3A_161, %div3A_165 : vector<128x16xf32>
    %broadcast_in_dim3A_167 = vector.shape_cast %div3A_166 : vector<128x16xf32> to vector<128x16x1xf32>
    %mul3A_168 = vector.broadcast %broadcast_in_dim3A_167 : vector<128x16x1xf32> to vector<128x16x32xf32>
    %mul3A_169 = arith.mulf %mul3A_168, %reshape3A_134 : vector<128x16x32xf32>
    %reduce_sum3A_170 = arith.constant dense<0.000000e+00> : vector<128x32xf32>
    %reduce_sum3A_171 = vector.multi_reduction <add>, %mul3A_169, %reduce_sum3A_170 [1] : vector<128x16x32xf32> to vector<128x32xf32>
    %add3A_172 = arith.addf %get3A_1, %reduce_sum3A_171 : vector<128x32xf32>
    %get3A_173 = arith.constant 0 : index
    %get3A_174 = arith.constant 0 : index
    %get3A_175 = vector.load %arg14[%get3A_173, %get3A_174] : memref<32x32xf32, #tpu.memory_space<vmem>>, vector<32x32xf32>
    %dot_general3A_176 = arith.constant dense<0.000000e+00> : vector<128x32xf32>
    %dot_general3A_177 = tpu.matmul %add3A_172, %get3A_175, %dot_general3A_176 {dimension_numbers = #tpu.dot_dimension_numbers<[1], [0], [0], [1], [0, 0, 1, 1], [], []>, transpose_lhs_hint = false} : vector<128x32xf32>, vector<32x32xf32>, vector<128x32xf32> -> vector<128x32xf32>
    %get3A_178 = arith.constant 0 : index
    %get3A_179 = arith.constant 0 : index
    %get3A_180 = vector.load %arg17[%get3A_178, %get3A_179] : memref<1x32xf32, #tpu.memory_space<vmem>>, vector<1x32xf32>
    %add3A_181 = vector.broadcast %get3A_180 : vector<1x32xf32> to vector<128x32xf32>
    %add3A_182 = arith.addf %dot_general3A_177, %add3A_181 : vector<128x32xf32>
    %max3A = arith.constant 0.000000e+00 : f32
    %max3A_183 = vector.broadcast %max3A : f32 to vector<128x32xf32>
    %max3A_184 = arith.maximumf %add3A_182, %max3A_183 : vector<128x32xf32>
    %mul3A_185 = arith.mulf %tanh3A_130, %max3A_184 : vector<128x32xf32>
    %reduce_sum3A_186 = arith.constant dense<0.000000e+00> : vector<128xf32>
    %reduce_sum3A_187 = vector.multi_reduction <add>, %mul3A_185, %reduce_sum3A_186 [1] : vector<128x32xf32> to vector<128xf32>
    %neg3A = arith.constant 0.000000e+00 : f32
    %neg3A_188 = vector.broadcast %neg3A : f32 to vector<128xf32>
    %neg3A_189 = arith.subf %neg3A_188, %reduce_sum3A_187 : vector<128xf32>
    %exp3A_190 = math.exp %neg3A_189 : vector<128xf32>
    %add3A_191 = arith.constant 1.000000e+00 : f32
    %add3A_192 = vector.broadcast %add3A_191 : f32 to vector<128xf32>
    %add3A_193 = arith.addf %add3A_192, %exp3A_190 : vector<128xf32>
    %div3A_194 = arith.constant 1.000000e+00 : f32
    %div3A_195 = vector.broadcast %div3A_194 : f32 to vector<128xf32>
    %div3A_196 = arith.divf %div3A_195, %add3A_193 : vector<128xf32>
    %swap3A = arith.constant 0 : index
    %swap3A_197 = arith.constant 0 : index
    %swap3A_198 = arith.constant 0 : index
    %swap3A_199 = vector.load %arg18[%swap3A, %swap3A_197, %swap3A_198] : memref<1x1x128xf32, #tpu.memory_space<vmem>>, vector<1x1x128xf32>
    %swap3A_200 = vector.shape_cast %swap3A_199 : vector<1x1x128xf32> to vector<128xf32>
    %swap3A_201 = vector.shape_cast %div3A_196 : vector<128xf32> to vector<1x1x128xf32>
    tpu.vector_store %arg18[%swap3A, %swap3A_197, %swap3A_198], %swap3A_201 {strides = array<i32>} : memref<1x1x128xf32, #tpu.memory_space<vmem>>, vector<1x1x128xf32>,
    %eq3A_202 = arith.constant 0 : i32
    %eq3A_203 = arith.cmpi eq, %arg0, %eq3A_202 : i32
    %convert_element_type3A_204 = arith.extui %eq3A_203 : i1 to i32
    %cond3A = arith.constant 0 : i32
    %cond3A_205 = arith.cmpi ne, %convert_element_type3A_204, %cond3A : i32
    scf.if %cond3A_205 {
      %broadcast_in_dim3A_216 = arith.constant 0.000000e+00 : f32
      %broadcast_in_dim3A_217 = vector.broadcast %broadcast_in_dim3A_216 : f32 to vector<1x1xf32>
      %swap3A_218 = arith.constant 0 : index
      %swap3A_219 = arith.constant 0 : index
      %swap3A_220 = vector.load %arg19[%swap3A_218, %swap3A_219] : memref<1x1xf32, #tpu.memory_space<vmem>>, vector<1x1xf32>
      tpu.vector_store %arg19[%swap3A_218, %swap3A_219], %broadcast_in_dim3A_217 {strides = array<i32>} : memref<1x1xf32, #tpu.memory_space<vmem>>, vector<1x1xf32>,
    } else {
    }
    %get3A_206 = arith.constant 0 : index
    %get3A_207 = arith.constant 0 : index
    %get3A_208 = vector.load %arg19[%get3A_206, %get3A_207] : memref<1x1xf32, #tpu.memory_space<vmem>>, vector<1x1xf32>
    %div3A_209 = arith.constant 3.276800e+04 : f32
    %div3A_210 = arith.divf %add3A_118, %div3A_209 : f32
    %reshape3A_211 = vector.broadcast %div3A_210 : f32 to vector<1x1xf32>
    %add3A_212 = arith.addf %get3A_208, %reshape3A_211 : vector<1x1xf32>
    %swap3A_213 = arith.constant 0 : index
    %swap3A_214 = arith.constant 0 : index
    %swap3A_215 = vector.load %arg19[%swap3A_213, %swap3A_214] : memref<1x1xf32, #tpu.memory_space<vmem>>, vector<1x1xf32>
    tpu.vector_store %arg19[%swap3A_213, %swap3A_214], %add3A_212 {strides = array<i32>} : memref<1x1xf32, #tpu.memory_space<vmem>>, vector<1x1xf32>,
    return
  }
  func.func @transform_0(%arg0: i32) -> (i32, i32) {
    %c0_i32 = arith.constant 0 : i32
    %c0_i32_0 = arith.constant 0 : i32
    return %arg0, %c0_i32 : i32, i32
  }
  func.func @transform_1(%arg0: i32) -> (i32, i32) {
    %add3A = arith.constant 1 : i32
    %add3A_0 = arith.addi %add3A, %arg0 : i32
    %c0_i32 = arith.constant 0 : i32
    %c0_i32_1 = arith.constant 0 : i32
    return %add3A_0, %c0_i32 : i32, i32
  }
  func.func @transform_2(%arg0: i32) -> (i32, i32) {
    %add3A = arith.constant 9 : i32
    %add3A_0 = arith.addi %add3A, %arg0 : i32
    %c0_i32 = arith.constant 0 : i32
    %c0_i32_1 = arith.constant 0 : i32
    return %add3A_0, %c0_i32 : i32, i32
  }
  func.func @transform_3(%arg0: i32) -> (i32, i32) {
    %add3A = arith.constant 17 : i32
    %add3A_0 = arith.addi %add3A, %arg0 : i32
    %c0_i32 = arith.constant 0 : i32
    %c0_i32_1 = arith.constant 0 : i32
    return %add3A_0, %c0_i32 : i32, i32
  }
  func.func @transform_4(%arg0: i32) -> (i32, i32) {
    %add3A = arith.constant 25 : i32
    %add3A_0 = arith.addi %add3A, %arg0 : i32
    %c0_i32 = arith.constant 0 : i32
    %c0_i32_1 = arith.constant 0 : i32
    return %add3A_0, %c0_i32 : i32, i32
  }
  func.func @transform_5(%arg0: i32) -> (i32, i32) {
    %add3A = arith.constant 66 : i32
    %add3A_0 = arith.addi %add3A, %arg0 : i32
    %c0_i32 = arith.constant 0 : i32
    %c0_i32_1 = arith.constant 0 : i32
    return %add3A_0, %c0_i32 : i32, i32
  }
  func.func @transform_6(%arg0: i32) -> (i32, i32, i32) {
    %c0_i32 = arith.constant 0 : i32
    %c0_i32_0 = arith.constant 0 : i32
    %c0_i32_1 = arith.constant 0 : i32
    return %c0_i32, %arg0, %c0_i32_0 : i32, i32, i32
  }
  func.func @transform_7(%arg0: i32) -> (i32, i32) {
    %c0_i32 = arith.constant 0 : i32
    %c0_i32_0 = arith.constant 0 : i32
    return %arg0, %c0_i32 : i32, i32
  }
  func.func @transform_8(%arg0: i32) -> (i32, i32) {
    %c0_i32 = arith.constant 0 : i32
    %c0_i32_0 = arith.constant 0 : i32
    %c0_i32_1 = arith.constant 0 : i32
    return %c0_i32, %c0_i32_0 : i32, i32
  }
  func.func @transform_9(%arg0: i32) -> (i32, i32) {
    %c0_i32 = arith.constant 0 : i32
    %c0_i32_0 = arith.constant 0 : i32
    %c0_i32_1 = arith.constant 0 : i32
    return %c0_i32, %c0_i32_0 : i32, i32
  }
  func.func @transform_10(%arg0: i32) -> (i32, i32) {
    %c0_i32 = arith.constant 0 : i32
    %c0_i32_0 = arith.constant 0 : i32
    %c0_i32_1 = arith.constant 0 : i32
    return %c0_i32, %c0_i32_0 : i32, i32
  }
  func.func @transform_11(%arg0: i32) -> (i32, i32) {
    %c0_i32 = arith.constant 0 : i32
    %c0_i32_0 = arith.constant 0 : i32
    %c0_i32_1 = arith.constant 0 : i32
    return %c0_i32, %c0_i32_0 : i32, i32
  }
  func.func @transform_12(%arg0: i32) -> (i32, i32) {
    %c0_i32 = arith.constant 0 : i32
    %c0_i32_0 = arith.constant 0 : i32
    %c0_i32_1 = arith.constant 0 : i32
    return %c0_i32, %c0_i32_0 : i32, i32
  }
  func.func @transform_13(%arg0: i32) -> (i32, i32) {
    %c0_i32 = arith.constant 0 : i32
    %c0_i32_0 = arith.constant 0 : i32
    %c0_i32_1 = arith.constant 0 : i32
    return %c0_i32, %c0_i32_0 : i32, i32
  }
  func.func @transform_14(%arg0: i32) -> (i32, i32) {
    %c0_i32 = arith.constant 0 : i32
    %c0_i32_0 = arith.constant 0 : i32
    %c0_i32_1 = arith.constant 0 : i32
    return %c0_i32, %c0_i32_0 : i32, i32
  }
  func.func @transform_15(%arg0: i32) -> (i32, i32) {
    %c0_i32 = arith.constant 0 : i32
    %c0_i32_0 = arith.constant 0 : i32
    %c0_i32_1 = arith.constant 0 : i32
    return %c0_i32, %c0_i32_0 : i32, i32
  }
  func.func @transform_16(%arg0: i32) -> (i32, i32) {
    %c0_i32 = arith.constant 0 : i32
    %c0_i32_0 = arith.constant 0 : i32
    %c0_i32_1 = arith.constant 0 : i32
    return %c0_i32, %c0_i32_0 : i32, i32
  }
  func.func @transform_17(%arg0: i32) -> (i32, i32, i32) {
    %c0_i32 = arith.constant 0 : i32
    %c0_i32_0 = arith.constant 0 : i32
    %c0_i32_1 = arith.constant 0 : i32
    return %arg0, %c0_i32, %c0_i32_0 : i32, i32, i32
  }
  func.func @transform_18(%arg0: i32) -> (i32, i32) {
    %c0_i32 = arith.constant 0 : i32
    %c0_i32_0 = arith.constant 0 : i32
    %c0_i32_1 = arith.constant 0 : i32
    return %c0_i32, %c0_i32_0 : i32, i32
  }
}

</mosaic_0001>

<sc_bundles>
// kernel: kernel.4.cloned.1.call-start
scs
__scs_entry_jumppad:
0x0: {  	(pc) =	sbr.rel $0x88, $3  }
0x1: {  	(tag) =	ssettag $0x0;
	lr =	simm.s32 $0x1  }
0x2: {  	[smem:$0x3F92] =	sst lr;
	_ =	strace $0xD0000000  }
0x3: {  	_ = 	snop  }
0x4: {  	_ = 	snop  }
0x5: {  	_ = 	snop  }
0x6: {  	_ = 	snop  }
0x7: {  	_ = 	snop  }
__scs_overlays_trampoline_lowered:
0x8: {  	[smem:$0x3FA1] =	sst s0  }
0x9: {  	[smem:$0x3FA2] =	sst s1  }
0xa: {  	[smem:$0x3FA3] =	sst s2  }
0xb: {  	[smem:$0x3FA4] =	sst s3  }
0xc: {  	[smem:$0x3FA5] =	sst s4  }
0xd: {  	[smem:$0x3FA6] =	sst s5  }
0xe: {  	[smem:$0x3FA7] =	sst s6  }
0xf: {  	[smem:$0x3FA8] =	sst s7  }
0x10: {  	[smem:$0x3FA9] =	sst s8  }
0x11: {  	[smem:$0x3FAA] =	sst s9;
	s0 =	simm.s32 @!p0 $0x0  }
0x12: {  	s1 =	sld [smem:$0x3F90];
	s0 =	simm.s32 @p0 $0x1  }
0x13: {  	[smem:$0x3FAB] =	sst s0;
	s0 =	simm.s32 @!p1 $0x0  }
0x14: {  	s2 =	sld [smem:$0x3F8F];
	s0 =	simm.s32 @p1 $0x1  }
0x15: {  	[smem:$0x3FAC] =	sst s0;
	s0 =	simm.s32 @!p2 $0x0  }
0x16: {  	s3 =	sld [smem:$0x3FDB];
	s0 =	simm.s32 @p2 $0x1  }
0x17: {  	s4 =	simm.s32 $0x1BF5;
	[smem:$0x3FAE] =	sst s0  }
0x18: {  	s0 =	sld [smem:$0x3F91];
	_ =	swait.ge [sflag:s4], $0x0  }
0x19: {  	s7 =	sld [smem:$0x3F92]  }
0x1a: {  	s8 =	sadd.s32 $0xFFFFE003, lr  }
0x1b: {  	s9 =	sadd.s32 $0xFFFFFEF7, lr;
	s5 =	simm.s32 $0xFFFFFFFF;
	p2 =	slt.u32 s8, $0xFFFFF086  }
0x1c: {  	p1 =	slt.u32 s9, $0xF7A;
	s5 =	simm.s32 @!p2 $0x0  }
0x1d: {  	s5 =	simm.s32 @p1 $0x1;
	p0 =	seq.s32 s7, s2  }
0x1e: {  	s7 =	smul.u32 @!p0 $0xF7A, s2;
	p2 =	seq.s32 @!p0 s5, $0x0  }
0x1f: {  	s9 =	smul.u32 $0xF7A, s1;
	s8 =	simm.s32 @!p0 $0x1BF5;
	p2 =	por !p2, p0  }
0x20: {  	[sflag:s8] =	ssyncset.s32 @!p0 $0xFFFFF086;
	s6 =	sadd.s32 @!p0 s3, s7;
	s7 =	simm.s32 @!p0 $0x108  }
0x21: {  	s3 =	sadd.s32 s3, s9;
	s6 =	sadd.s32 @!p0 $0x88, s6;
	s7 =	simm.s32 @p2 $0x1082  }
0x22: {  	[simem:s7], [sflag:s8] =	dma.local @!p0 [hbm:s6], $0xF7A  }
0x23: {  	s9 =	sor.u32 $0xD0000000, s2;
	s6 =	simm.s32 $0x108;
	_ =	swait.ge @!p0 [sflag:s8], $0x0  }
0x24: {  	s3 =	sadd.s32 $0x88, s3;
	s6 =	simm.s32 @!p1 $0x1082;
	[sflag:s4] =	ssyncset.s32 $0xFFFFF086  }
0x25: {  	[simem:s6], [sflag:s4] =	dma.local [hbm:s3], $0xF7A  }
0x26: {  	[smem:$0x3F92] =	sst s1;
	(tag) =	ssettag s2;
	_ =	strace s9  }
0x27: {  	s1 =	sld [smem:$0x3FA2]  }
0x28: {  	s2 =	sld [smem:$0x3FA3]  }
0x29: {  	s4 =	sld [smem:$0x3FA5]  }
0x2a: {  	p0 =	seq.s32 s5, $0x0;
	s5 =	sld [smem:$0x3FA6]  }
0x2b: {  	s6 =	sld [smem:$0x3FA7]  }
0x2c: {  	s7 =	sld [smem:$0x3FA8]  }
0x2d: {  	s3 =	simm.s32 $0x108;
	s8 =	sld [smem:$0x3FA9]  }
0x2e: {  	s3 =	simm.s32 @!p0 $0x1082;
	s9 =	sld [smem:$0x3FAA]  }
0x2f: {  	lr =	sadd.s32 s0, s3;
	s0 =	sld [smem:$0x3FA1]  }
0x30: {  	s3 =	sld [smem:$0x3FA4]  }
0x31: {  	[smem:$0x3FAD] =	sst s10  }
0x32: {  	s10 =	sld [smem:$0x3FAB];
	_ =	sdelay $0x3  }
0x33: {  	p0 =	seq.s32 s10, $0x1;
	s10 =	sld [smem:$0x3FAD];
	_ =	sdelay $0x3  }
0x34: {  	[smem:$0x3FAD] =	sst s10  }
0x35: {  	s10 =	sld [smem:$0x3FAC];
	_ =	sdelay $0x3  }
0x36: {  	p1 =	seq.s32 s10, $0x1;
	s10 =	sld [smem:$0x3FAD];
	_ =	sdelay $0x3  }
0x37: {  	[smem:$0x3FAD] =	sst s10  }
0x38: {  	s10 =	sld [smem:$0x3FAE]  }
0x39: {  	_ = 	snop;
	(pc) =	sbr.ind lr, $3  }
0x3a: {  	_ = 	snop  }
0x3b: {  	_ = 	snop  }
0x3c: {  	p2 =	seq.s32 s10, $0x1;
	s10 =	sld [smem:$0x3FAD]  }
0x3d: {  	_ =	shalt  }
0x3e: {  	_ =	shalt  }
0x3f: {  	_ =	shalt  }
0x40: {  	_ =	shalt  }
0x41: {  	_ =	shalt  }
0x42: {  	_ =	shalt  }
0x43: {  	_ =	shalt  }
0x44: {  	_ =	shalt  }
0x45: {  	_ =	shalt  }
0x46: {  	_ =	shalt  }
0x47: {  	_ =	shalt  }
0x48: {  	_ =	shalt  }
0x49: {  	_ =	shalt  }
0x4a: {  	_ =	shalt  }
0x4b: {  	_ =	shalt  }
0x4c: {  	_ =	shalt  }
0x4d: {  	_ =	shalt  }
0x4e: {  	_ =	shalt  }
0x4f: {  	_ =	shalt  }
0x50: {  	_ =	shalt  }
0x51: {  	_ =	shalt  }
0x52: {  	_ =	shalt  }
0x53: {  	_ =	shalt  }
0x54: {  	_ =	shalt  }
0x55: {  	_ =	shalt  }
0x56: {  	_ =	shalt  }
0x57: {  	_ =	shalt  }
0x58: {  	_ =	shalt  }
0x59: {  	_ =	shalt  }
0x5a: {  	_ =	shalt  }
0x5b: {  	_ =	shalt  }
0x5c: {  	_ =	shalt  }
0x5d: {  	_ =	shalt  }
0x5e: {  	_ =	shalt  }
0x5f: {  	_ =	shalt  }
0x60: {  	_ =	shalt  }
0x61: {  	_ =	shalt  }
0x62: {  	_ =	shalt  }
0x63: {  	_ =	shalt  }
0x64: {  	_ =	shalt  }
0x65: {  	_ =	shalt  }
0x66: {  	_ =	shalt  }
0x67: {  	_ =	shalt  }
0x68: {  	_ =	shalt  }
0x69: {  	_ =	shalt  }
0x6a: {  	_ =	shalt  }
0x6b: {  	_ =	shalt  }
0x6c: {  	_ =	shalt  }
0x6d: {  	_ =	shalt  }
0x6e: {  	_ =	shalt  }
0x6f: {  	_ =	shalt  }
0x70: {  	_ =	shalt  }
0x71: {  	_ =	shalt  }
0x72: {  	_ =	shalt  }
0x73: {  	_ =	shalt  }
0x74: {  	_ =	shalt  }
0x75: {  	_ =	shalt  }
0x76: {  	_ =	shalt  }
0x77: {  	_ =	shalt  }
0x78: {  	_ =	shalt  }
0x79: {  	_ =	shalt  }
0x7a: {  	_ =	shalt  }
0x7b: {  	_ =	shalt  }
0x7c: {  	_ =	shalt  }
0x7d: {  	_ =	shalt  }
0x7e: {  	_ =	shalt  }
0x7f: {  	_ =	shalt  }
0x80: {  	_ =	shalt  }
0x81: {  	_ =	shalt  }
0x82: {  	_ =	shalt  }
0x83: {  	_ =	shalt  }
0x84: {  	_ =	shalt  }
0x85: {  	_ =	shalt  }
0x86: {  	_ =	shalt  }
0x87: {  	_ =	shalt  }
.Lfunc_end0:
.L_simem_size_0:
called_computation_lowered:
.L_overlay_start_0:
0x88: {  	s2 =	sld [smem:$0x3FD9]  }
0x89: {  	s3 =	sld [smem:$0x3FFE];
	_ =	sdelay $0x1  }
0x8a: {  	s1 =	srdreg.scid  }
0x8b: {  	s0 =	sand.u32 $0x1, s1  }
0x8c: {  	s16 =	sshll.u32 s0, $0xA;
	s2 =	sadd.s32 s3, s2  }
0x8d: {  	s2 =	sadd.s32 s2, s16  }
0x8e: {  	[smem:$0x3FB9] =	sst s2  }
0x8f: {  	_ = 	snop  }
0x90: {  	(tm) =	ssettm $0x1  }
0x91: {  	s17 =	sld [smem:$0x3FFB];
	_ =	sdelay $0x3  }
0x92: {  	_ =	strace s17  }
0x93: {  	s2 =	sld [smem:$0x3FFC];
	_ =	sdelay $0x3  }
0x94: {  	_ =	strace s2  }
0x95: {  	s2 =	sld [smem:$0x3FFD];
	_ =	sdelay $0x3  }
0x96: {  	_ =	strace s2  }
0x97: {  	_ =	strace $0x8FFFFFFF  }
0x98: {  	s18 =	sld [smem:$0x3FDB];
	_ =	sdelay $0x1  }
0x99: {  	s19 =	simm.s32 $_scs_section_size  }
0x9a: {  	s4 =	simm.s32 $_size__tile_overlayer_lowered;
	s5 =	simm.s32 $_tile_overlayer_lowered  }
0x9b: {  	s22 =	simm.s32 $0x1BFF;
	s21 =	sshll.u32 s5, $0x1;
	s2 =	sadd.s32 s19, s18  }
0x9c: {  	s6 =	simm.s32 $0x0;
	s20 =	sshll.u32 s4, $0x1;
	s4 =	sadd.s32 s21, s2  }
0x9d: {  	[timem:s6], [sflag:s22] =	dma.local [hbm:s4], s20  }
0x9e: {  	_ =	swait.ge [sflag:s22], s20  }
0x9f: {  	s3 =	ssub.s32 $0x0, s20;
	[sflag:s22] =	ssyncset.done $0x0  }
0xa0: {  	[sflag:s22] =	ssyncadd.s32 s3;
	_ =	sdelay $0x1  }
0xa1: {  	s23 =	simm.s32 $0x1B8B  }
0xa2: {  	_ =	swait.ge [sflag:s23], $0x1  }
0xa3: {  	[sflag:s23] =	ssyncset.done $0x0  }
0xa4: {  	s25 =	simm.s32 $0x1B8E;
	s24 =	sld [smem:$0x3FFE];
	[sflag:s23] =	ssyncadd.s32 $0xFFFFFFFF  }
0xa5: {  	s26 =	simm.s32 $execute0_lowered;
	[smem:$0x3FD2] =	sst s25  }
0xa6: {  	s4 =	sshll.u32 s26, $0x1;
	_ =	strace $0x80000046;
	[dreg:$0x1] =	wrdreg $0xFFFFFFFF  }
0xa7: {  	s28 =	simm.s32 $_size_execute0_lowered;
	s2 =	sadd.s32 s2, s4;
	[dreg:$0x0] =	wrdreg $0x0  }
0xa8: {  	s4 =	sshll.u32 s28, $0x1;
	[dreg:$0x2] =	wrdreg s2  }
0xa9: {  	[dreg:$0x3] =	wrdreg s4  }
0xaa: {  	[dreg:$0x4] =	wrdreg $0xC0  }
0xab: {  	_ =	task [dreg:s6], $0x5FFFF  }
0xac: {  	[dreg:$0x1] =	wrdreg $0xFFFFFFFF  }
0xad: {  	[dreg:$0x0] =	wrdreg $0x60  }
0xae: {  	[dreg:$0x2] =	wrdreg s24  }
0xaf: {  	[dreg:$0x3] =	wrdreg $0x9  }
0xb0: {  	_ =	task.clear_ibuf [dreg:s6], $0x4FFFF;
	_ =	strace $0x90000046  }
0xb1: {  	s29 =	simm.s32 $0x9;
	_ =	strace $0x80000048  }
0xb2: {  	_ =	swait.ge [sflag:s29], $0x1  }
0xb3: {  	[sflag:s29] =	ssyncadd.s32 $0xFFFFFFFF  }
0xb4: {  	_ =	strace $0x90000048  }
0xb5: {  	_ =	sfence  }
0xb6: {  	s30 =	sld [smem:$0x0];
	_ =	sdelay $0x2  }
0xb7: {  	s31 =	sshll.u32 s1, $0xD;
	s1 =	sshrl.u32 s1, $0x2  }
0xb8: {  	s3 =	sand.u32 $0x4000, s31;
	s1 =	sadd.s32 s1, s30  }
0xb9: {  	s0 =	sor.u32 s3, s0;
	s1 =	sshll.u32 s1, $0x11  }
0xba: {  	s0 =	sor.u32 s1, s0  }
0xbb: {  	s0 =	sadd.s32 $0x8F2B, s0  }
0xbc: {  	[sflag:s0] =	ssyncadd.remote.s32 $0x1  }
0xbd: {  	_ =	sfence.sel $0xFFFF  }
0xbe: {  	[dreg:$0x0] =	wrdreg $0xFFFFFFFF;
	(pc) =	sbr.abs _section_cstart, $3  }
0xbf: {  	[dreg:$0x1] =	wrdreg $0xFFFFFFFF  }
0xc0: {  	_ =	task.clear_ibuf [dreg:s6], $0x2FFFF;
	_ =	strace $0x9FFFFFFF  }
0xc1: {  	(tm) =	ssettm $0x7FFFFFFF  }
tec
execute0_lowered:
.L_overlay_start_1:
0x0: {  	(tag) =	ssettag $0x1  }
0x1: {  	s0 =	rddreg [dreg:$0x0]  }
0x2: {  	s1 =	simm.s32 $0x0;
	s4 =	srdreg.scid;
	s2 =	stileid.u32  }
0x3: {  	s14 =	simm.s32 $0x7;
	s15 =	simm.s32 $0x420;
	s16 =	simm.s32 $0x1080  }
0x4: {  	s17 =	simm.s32 $0x9480;
	s18 =	simm.s32 $0x5;
	s19 =	simm.s32 $0x20  }
0x5: {  	s20 =	simm.s32 $0x118A0;
	s28 =	simm.s32 $0x6;
	s29 =	simm.s32 $0x11CA0  }
0x6: {  	s30 =	simm.s32 $0x200;
	s31 =	simm.s32 $0x11EA0;
	[smem:$0x7FF] =	sst s1  }
0x7: {  	s3 =	sadd.s32 $0x1EB600, s0;
	s5 =	sadd.s32 $0x189A00, s0;
	s4 =	sand.u32 $0x1, s4  }
0x8: {  	s6 =	sshll.u32 s2, $0x1;
	s7 =	sadd.s32 $0x3000, s0;
	s11 =	sadd.s32 $0x7200, s0  }
0x9: {  	_ =	strace $0x80000047;
	[dreg:$0x2] =	wrdreg s5;
	s9 =	sor.u32 s4, s6  }
0xa: {  	s4 =	ssub.s32 $0x2, s4;
	s21 =	sshll.u32 s9, $0x6;
	s6 =	smul.u32 $0x210, s9  }
0xb: {  	s22 =	smul.u32 $0x21000, s9;
	s8 =	sshrl.u32 s4, $0x1;
	s10 =	sshll.u32 s9, $0x2  }
0xc: {  	s12 =	smul.u32 $0x4200, s9;
	s25 =	sshll.u32 s9, $0xB;
	s0 =	sadd.s32 s21, s0  }
0xd: {  	s13 =	ssub.s32 s4, s8;
	s4 =	sadd.s32 s7, s10;
	s26 =	sadd.s32 s25, s11  }
0xe: {  	s21 =	simm.s32 $0x1;
	s25 =	simm.s32 $0x4;
	s23 =	sshrl.u32 s22, $0x3  }
0xf: {  	s5 =	sadd.s32 s7, s6;
	s6 =	sadd.s32 s11, s12;
	s10 =	sadd.s32 $0x9B200, s0  }
0x10: {  	s12 =	smax.u32 s13, $0x1;
	s13 =	simm.s32 $0x11880;
	s22 =	simm.s32 $0x3  }
0x11: {  	s0 =	simm.s32 $0x120A0;
	s24 =	sadd.s32 s11, s23;
	s11 =	sadd.s32 $0x84000, s26  }
0x12: {  	s23 =	simm.s32 $0x840;
	s26 =	simm.s32 $0xC60;
	s7 =	sadd.s32 $0x1080, s24  }
0x13: {  	s8 =	sadd.s32 $0x2100, s24;
	s9 =	sadd.s32 $0x3180, s24;
	s24 =	simm.s32 $0x2  }
.LBB2_1:
0x14: {  	[tilespmem:s13], [sflag:$0x5] =	stream.linear.gather [hbm4b:s4+s1], $0x20, $0x38;
	[tilespmem:$0x160A0] =	vst v63  }
0x15: {  	_ = 	snop  }
0x16: {  	[tilespmem:s1], [sflag:$0x7] =	stream.linear.gather [hbm4b:s5+s1], $0x1080, $0x38;
	[tilespmem:$0x160A0] =	vst v63  }
0x17: {  	_ =	swait.ge [sflag:s14], $0x1080  }
0x18: {  	[sflag:s14] =	ssyncset.done $0x0  }
0x19: {  	[sflag:s14] =	ssyncadd.s32 $0xFFFFEF80  }
0x1a: {  	[tilespmem:s16], [sflag:$0x1] =	stream.indirect.gather [hbm4b:s3+s15], $0x20, s1, s15, $0xb8;
	[tilespmem:$0x160A0] =	vst v63  }
0x1b: {  	_ = 	snop  }
0x1c: {  	[tilespmem:s17], [sflag:$0x2] =	stream.indirect.gather [hbm4b:s3+s15], $0x20, s15, s15, $0xb8;
	[tilespmem:$0x160A0] =	vst v63  }
0x1d: {  	_ =	swait.ge [sflag:s18], $0x20  }
0x1e: {  	[sflag:s18] =	ssyncset.done $0x0  }
0x1f: {  	s2 =	rddreg [dreg:$0x2];
	[sflag:s18] =	ssyncadd.s32 $0xFFFFFFE0  }
0x20: {  	[tilespmem:s20], [sflag:$0x6] =	stream.indirect.gather [hbm4b:s2+s19], $0x20, s13, s19, $0xb8;
	[tilespmem:$0x160A0] =	vst v63  }
0x21: {  	_ =	swait.ge [sflag:s21], $0x8400  }
0x22: {  	[sflag:s21] =	ssyncset.done $0x0  }
0x23: {  	[sflag:s21] =	ssyncadd.s32 $0xFFFF7C00  }
0x24: {  	[hbm4b:s6+s1] =	stream.linear.scatter [tilespmem:s16], [sflag:$0x3], $0x8400, $0x38;
	[tilespmem:$0x160A0] =	vst v63  }
0x25: {  	_ =	swait.ge [sflag:s22], $0x8400  }
0x26: {  	[sflag:s22] =	ssyncset.done $0x0  }
0x27: {  	[sflag:s22] =	ssyncadd.s32 $0xFFFF7C00  }
0x28: {  	[tilespmem:s16], [sflag:$0x1] =	stream.indirect.gather [hbm4b:s3+s15], $0x20, s23, s15, $0xb8;
	[tilespmem:$0x160A0] =	vst v63  }
0x29: {  	_ =	swait.ge [sflag:s24], $0x8400  }
0x2a: {  	[sflag:s24] =	ssyncset.done $0x0  }
0x2b: {  	[sflag:s24] =	ssyncadd.s32 $0xFFFF7C00  }
0x2c: {  	[hbm4b:s7+s1] =	stream.linear.scatter [tilespmem:s17], [sflag:$0x4], $0x8400, $0x38;
	[tilespmem:$0x160A0] =	vst v63  }
0x2d: {  	_ =	swait.ge [sflag:s25], $0x8400  }
0x2e: {  	[sflag:s25] =	ssyncset.done $0x0  }
0x2f: {  	[sflag:s25] =	ssyncadd.s32 $0xFFFF7C00  }
0x30: {  	[tilespmem:s17], [sflag:$0x2] =	stream.indirect.gather [hbm4b:s3+s15], $0x20, s26, s15, $0xb8;
	[tilespmem:$0x160A0] =	vst v63  }
0x31: {  	_ =	swait.ge [sflag:s21], $0x8400  }
0x32: {  	[sflag:s21] =	ssyncset.done $0x0  }
0x33: {  	[sflag:s21] =	ssyncadd.s32 $0xFFFF7C00  }
0x34: {  	[hbm4b:s8+s1] =	stream.linear.scatter [tilespmem:s16], [sflag:$0x3], $0x8400, $0x38;
	[tilespmem:$0x160A0] =	vst v63  }
0x35: {  	_ =	swait.ge [sflag:s24], $0x8400  }
0x36: {  	[sflag:s24] =	ssyncset.done $0x0  }
0x37: {  	[sflag:s24] =	ssyncadd.s32 $0xFFFF7C00  }
0x38: {  	[hbm4b:s9+s1] =	stream.linear.scatter [tilespmem:s17], [sflag:$0x4], $0x8400, $0x38;
	[tilespmem:$0x160A0] =	vst v63  }
0x39: {  	_ =	swait.ge [sflag:s28], $0x400  }
0x3a: {  	[sflag:s28] =	ssyncset.done $0x0  }
0x3b: {  	[sflag:s28] =	ssyncadd.s32 $0xFFFFFC00  }
0x3c: {  	v0 =	vld [tilespmem:$0x118A0]  }
0x3d: {  	v1 =	vld [tilespmem:$0x118B0]  }
0x3e: {  	v2 =	vld [tilespmem:$0x118C0]  }
0x3f: {  	v3 =	vld [tilespmem:$0x118D0]  }
0x40: {  	v4 =	vld [tilespmem:$0x118E0]  }
0x41: {  	v61 =	vld [tilespmem:$0x118F0];
	[tilespmem:$0x11EA0] =	vst v0  }
0x42: {  	v62 =	vld [tilespmem:$0x11900];
	[tilespmem:$0x11CA0] =	vst v1  }
0x43: {  	v63 =	vld [tilespmem:$0x11910];
	[tilespmem:$0x11EB0] =	vst v2  }
0x44: {  	v8 =	vld [tilespmem:$0x11920];
	[tilespmem:$0x11CB0] =	vst v3  }
0x45: {  	v9 =	vld [tilespmem:$0x11930];
	[tilespmem:$0x11EC0] =	vst v4  }
0x46: {  	v10 =	vld [tilespmem:$0x11940];
	[tilespmem:$0x11CC0] =	vst v61  }
0x47: {  	v11 =	vld [tilespmem:$0x11950];
	[tilespmem:$0x11ED0] =	vst v62  }
0x48: {  	v12 =	vld [tilespmem:$0x11960];
	[tilespmem:$0x11CD0] =	vst v63  }
0x49: {  	v13 =	vld [tilespmem:$0x11970];
	[tilespmem:$0x11EE0] =	vst v8  }
0x4a: {  	v14 =	vld [tilespmem:$0x11980];
	[tilespmem:$0x11CE0] =	vst v9  }
0x4b: {  	v15 =	vld [tilespmem:$0x11990];
	[tilespmem:$0x11EF0] =	vst v10  }
0x4c: {  	v16 =	vld [tilespmem:$0x119A0];
	[tilespmem:$0x11CF0] =	vst v11  }
0x4d: {  	v17 =	vld [tilespmem:$0x119B0];
	[tilespmem:$0x11F00] =	vst v12  }
0x4e: {  	v18 =	vld [tilespmem:$0x119C0];
	[tilespmem:$0x11D00] =	vst v13  }
0x4f: {  	v19 =	vld [tilespmem:$0x119D0];
	[tilespmem:$0x11F10] =	vst v14  }
0x50: {  	v20 =	vld [tilespmem:$0x119E0];
	[tilespmem:$0x11D10] =	vst v15  }
0x51: {  	v21 =	vld [tilespmem:$0x119F0];
	[tilespmem:$0x11F20] =	vst v16  }
0x52: {  	v22 =	vld [tilespmem:$0x11A00];
	[tilespmem:$0x11D20] =	vst v17  }
0x53: {  	v23 =	vld [tilespmem:$0x11A10];
	[tilespmem:$0x11F30] =	vst v18  }
0x54: {  	v24 =	vld [tilespmem:$0x11A20];
	[tilespmem:$0x11D30] =	vst v19  }
0x55: {  	v25 =	vld [tilespmem:$0x11A30];
	[tilespmem:$0x11F40] =	vst v20  }
0x56: {  	v26 =	vld [tilespmem:$0x11A40];
	[tilespmem:$0x11D40] =	vst v21  }
0x57: {  	v27 =	vld [tilespmem:$0x11A50];
	[tilespmem:$0x11F50] =	vst v22  }
0x58: {  	v28 =	vld [tilespmem:$0x11A60];
	[tilespmem:$0x11D50] =	vst v23  }
0x59: {  	v29 =	vld [tilespmem:$0x11A70];
	[tilespmem:$0x11F60] =	vst v24  }
0x5a: {  	v30 =	vld [tilespmem:$0x11A80];
	[tilespmem:$0x11D60] =	vst v25  }
0x5b: {  	v31 =	vld [tilespmem:$0x11A90];
	[tilespmem:$0x11F70] =	vst v26  }
0x5c: {  	v32 =	vld [tilespmem:$0x11AA0];
	[tilespmem:$0x11D70] =	vst v27  }
0x5d: {  	v33 =	vld [tilespmem:$0x11AB0];
	[tilespmem:$0x11F80] =	vst v28  }
0x5e: {  	v34 =	vld [tilespmem:$0x11AC0];
	[tilespmem:$0x11D80] =	vst v29  }
0x5f: {  	v35 =	vld [tilespmem:$0x11AD0];
	[tilespmem:$0x11F90] =	vst v30  }
0x60: {  	v36 =	vld [tilespmem:$0x11AE0];
	[tilespmem:$0x11D90] =	vst v31  }
0x61: {  	v37 =	vld [tilespmem:$0x11AF0];
	[tilespmem:$0x11FA0] =	vst v32  }
0x62: {  	v38 =	vld [tilespmem:$0x11B00];
	[tilespmem:$0x11DA0] =	vst v33  }
0x63: {  	v39 =	vld [tilespmem:$0x11B10];
	[tilespmem:$0x11FB0] =	vst v34  }
0x64: {  	v40 =	vld [tilespmem:$0x11B20];
	[tilespmem:$0x11DB0] =	vst v35  }
0x65: {  	v41 =	vld [tilespmem:$0x11B30];
	[tilespmem:$0x11FC0] =	vst v36  }
0x66: {  	v42 =	vld [tilespmem:$0x11B40];
	[tilespmem:$0x11DC0] =	vst v37  }
0x67: {  	v43 =	vld [tilespmem:$0x11B50];
	[tilespmem:$0x11FD0] =	vst v38  }
0x68: {  	v44 =	vld [tilespmem:$0x11B60];
	[tilespmem:$0x11DD0] =	vst v39  }
0x69: {  	v45 =	vld [tilespmem:$0x11B70];
	[tilespmem:$0x11FE0] =	vst v40  }
0x6a: {  	v46 =	vld [tilespmem:$0x11B80];
	[tilespmem:$0x11DE0] =	vst v41  }
0x6b: {  	v47 =	vld [tilespmem:$0x11B90];
	[tilespmem:$0x11FF0] =	vst v42  }
0x6c: {  	v48 =	vld [tilespmem:$0x11BA0];
	[tilespmem:$0x11DF0] =	vst v43  }
0x6d: {  	v49 =	vld [tilespmem:$0x11BB0];
	[tilespmem:$0x12000] =	vst v44  }
0x6e: {  	v50 =	vld [tilespmem:$0x11BC0];
	[tilespmem:$0x11E00] =	vst v45  }
0x6f: {  	v51 =	vld [tilespmem:$0x11BD0];
	[tilespmem:$0x12010] =	vst v46  }
0x70: {  	v52 =	vld [tilespmem:$0x11BE0];
	[tilespmem:$0x11E10] =	vst v47  }
0x71: {  	v53 =	vld [tilespmem:$0x11BF0];
	[tilespmem:$0x12020] =	vst v48  }
0x72: {  	v54 =	vld [tilespmem:$0x11C00];
	[tilespmem:$0x11E20] =	vst v49  }
0x73: {  	v55 =	vld [tilespmem:$0x11C10];
	[tilespmem:$0x12030] =	vst v50  }
0x74: {  	v56 =	vld [tilespmem:$0x11C20];
	[tilespmem:$0x11E30] =	vst v51  }
0x75: {  	v57 =	vld [tilespmem:$0x11C30];
	[tilespmem:$0x12040] =	vst v52  }
0x76: {  	v58 =	vld [tilespmem:$0x11C40];
	[tilespmem:$0x11E40] =	vst v53  }
0x77: {  	v59 =	vld [tilespmem:$0x11C50];
	[tilespmem:$0x12050] =	vst v54  }
0x78: {  	v60 =	vld [tilespmem:$0x11C60];
	[tilespmem:$0x11E50] =	vst v55  }
0x79: {  	[tilespmem:$0x12060] =	vst v56;
	v61 =	vld [tilespmem:$0x11C70]  }
0x7a: {  	[tilespmem:$0x11E60] =	vst v57;
	v62 =	vld [tilespmem:$0x11C80]  }
0x7b: {  	[tilespmem:$0x12070] =	vst v58;
	v63 =	vld [tilespmem:$0x11C90]  }
0x7c: {  	[tilespmem:$0x11E70] =	vst v59  }
0x7d: {  	[tilespmem:$0x12080] =	vst v60  }
0x7e: {  	[tilespmem:$0x11E80] =	vst v61  }
0x7f: {  	[tilespmem:$0x12090] =	vst v62  }
0x80: {  	[tilespmem:$0x11E90] =	vst v63  }
0x81: {  	[hbm4b:s10+s1] =	stream.linear.scatter [tilespmem:s29], [sflag:$0x7], $0x200, $0x38;
	[tilespmem:$0x160A0] =	vst v63  }
0x82: {  	_ =	swait.ge [sflag:s14], $0x200  }
0x83: {  	[sflag:s14] =	ssyncset.done $0x0  }
0x84: {  	[sflag:s14] =	ssyncadd.s32 $0xFFFFFE00  }
0x85: {  	[tilespmem:s0], [sflag:$0x6] =	stream.indirect.gather [hbm4b:s3+s30], $0x20, s31, s30, $0xb8;
	[tilespmem:$0x160A0] =	vst v63  }
0x86: {  	_ =	swait.ge [sflag:s28], $0x4000  }
0x87: {  	[sflag:s28] =	ssyncset.done $0x0  }
0x88: {  	[sflag:s28] =	ssyncadd.s32 $0xFFFFC000  }
0x89: {  	[hbm4b:s11+s1] =	stream.linear.scatter [tilespmem:s0], [sflag:$0x7], $0x4000, $0x38;
	[tilespmem:$0x160A0] =	vst v63  }
0x8a: {  	_ =	swait.ge [sflag:s14], $0x4000  }
0x8b: {  	[sflag:s14] =	ssyncset.done $0x0  }
0x8c: {  	[sflag:s14] =	ssyncadd.s32 $0xFFFFC000  }
0x8d: {  	p0 =	sne.s32 s12, $0x1;
	_ =	swait.ge [sflag:s22], $0x8400  }
.Ltmp0:
0x8e: {  	[sflag:s22] =	ssyncset.done $0x0;
	(pc) =	sbr.rel @p0 .LBB2_1-.Ltmp0, $4  }
0x8f: {  	[sflag:s22] =	ssyncadd.s32 $0xFFFF7C00  }
0x90: {  	_ =	swait.ge [sflag:s25], $0x8400  }
0x91: {  	[sflag:s25] =	ssyncset.done $0x0  }
0x92: {  	s12 =	sadd.s32 $0xFFFFFFFF, s12;
	[sflag:s25] =	ssyncadd.s32 $0xFFFF7C00  }
0x93: {  	_ =	sfence.sel $0x180000  }
0x94: {  	[bflag:$0x0] =	sbarrier.arrive $0xFFFF  }
0x95: {  	_ =	strace $0x90000047  }
0x96: {  	s0 =	stileid.u32;
	[bflag:$0x2] =	sbarrier.arrive $0xFFFF  }
0x97: {  	p0 =	sne.s32 s0, $0x0;
	s0 =	rddreg [dreg:$0x1]  }
0x98: {  	s0 =	sadd.s32 @!p0 $0x100000, s0  }
0x99: {  	[sflag:s0] =	ssyncadd.tile.s32 @!p0 $0x1;
	_ =	shalt  }
.Lfunc_end2:
_tile_overlayer_lowered:
.L_overlay_start_2:
0x9a: {  	(tag) =	ssettag $0x2  }
0x9b: {  	s0 =	rddreg [dreg:$0x0];
	s2 =	stileid.u32  }
0x9c: {  	s1 =	rddreg [dreg:$0x1];
	p0 =	sne.s32 s2, $0x0  }
0x9d: {  	s3 =	rddreg [dreg:$0x2];
	[bflag:$0x3] =	sbarrier.arrive $0xFFFF;
	s2 =	simm.s32 @!p0 $0x1C07  }
0x9e: {  	[timem:s3], [sflag:s2] =	dma.local @!p0 [hbm:s0], s1  }
0x9f: {  	s0 =	simm.s32 @!p0 $0x7  }
0xa0: {  	_ =	swait.ge @!p0 [sflag:s0], s1  }
0xa1: {  	s1 =	ssub.s32 @!p0 $0x0, s1;
	[sflag:s0] =	ssyncset.done @!p0 $0x0  }
0xa2: {  	[sflag:s0] =	ssyncadd.s32 @!p0 s1  }
0xa3: {  	[bflag:$0x3] =	sbarrier.arrive $0xFFFF  }
0xa4: {  	_ =	shalt  }

</sc_bundles>
